<compile_context>
chip_gen: v7x
topology: tpu7x:2x2x1
jax: 0.10.2.dev20260603
libtpu: 0.0.44.dev20260713+nightly
codegen_flags: <defaults>
</compile_context>

<pallas_src>
import functools

import jax
import jax.numpy as jnp
from jax import lax
from jax.experimental import pallas as pl
from jax.experimental.pallas import tpu as pltpu
from jax.experimental.pallas import tpu_sc as plsc

N = 10000
E = 320000
D = 128
H = 128
C = 10
G = 128

NC = 2
NS = 16
NW = NC * NS
CHUNK = 128
NCH = 80
EP = NW * NCH * CHUNK
NPAD = N + 112
STRIPE = NPAD // NS

BLK = 2000
NBLK = N // BLK

def _deg_kernel_build():
  return functools.partial(
    pl.kernel,
    out_type=jax.ShapeDtypeStruct((NC, NPAD, 128), jnp.float32),
    scratch_types=[
        pltpu.VMEM((2, CHUNK), jnp.int32),
        pltpu.VMEM((2, CHUNK), jnp.int32),
        pltpu.VMEM((CHUNK, 128), jnp.float32),
        pltpu.VMEM_SHARED((NPAD, 128), jnp.float32),
        pltpu.SemaphoreType.DMA,
        pltpu.SemaphoreType.DMA,
    ],
    mesh=plsc.VectorSubcoreMesh(core_axis_name="c", subcore_axis_name="s",
                                num_cores=NC, num_subcores=NS),
  )(_deg_body)


def _deg_body(ed4, zrows, ones128, out, idx_a, idx_b, ones_v, spm,
              sem_a, sem_b):
    c = lax.axis_index("c")
    s = lax.axis_index("s")
    w = s * NC + c
    pltpu.sync_copy(zrows, spm.at[pl.ds(s * STRIPE, STRIPE)])
    pltpu.sync_copy(ones128, ones_v)
    plsc.subcore_barrier()

    pltpu.sync_copy(ed4.at[w, 0], idx_a)
    pltpu.async_copy(ed4.at[w, 1], idx_b, sem_b)

    def step(p, carry):
        j = 2 * p
        pltpu.sync_copy(ones_v, spm.at[idx_a.at[1]], add=True)
        pltpu.make_async_copy(ed4.at[w, j + 1], idx_b, sem_b).wait()

        @pl.when(p < NCH // 2 - 1)
        def _():
            pltpu.async_copy(ed4.at[w, j + 2], idx_a, sem_a)

        pltpu.sync_copy(ones_v, spm.at[idx_b.at[1]], add=True)

        @pl.when(p < NCH // 2 - 1)
        def _():
            pltpu.make_async_copy(ed4.at[w, j + 2], idx_a, sem_a).wait()
            pltpu.async_copy(ed4.at[w, j + 3], idx_b, sem_b)

        return carry

    lax.fori_loop(0, NCH // 2, step, 0)
    plsc.subcore_barrier()
    pltpu.sync_copy(spm.at[pl.ds(s * STRIPE, STRIPE)],
                    out.at[c, pl.ds(s * STRIPE, STRIPE)])


def _agg_kernel_build():
  return functools.partial(
    pl.kernel,
    out_type=jax.ShapeDtypeStruct((NC, NPAD, H), jnp.float32),
    scratch_types=[
        pltpu.VMEM((2, 2, CHUNK), jnp.int32),
        pltpu.VMEM((2, 2, CHUNK), jnp.int32),
        pltpu.VMEM((CHUNK, H), jnp.float32),
        pltpu.VMEM((CHUNK, H), jnp.float32),
        pltpu.VMEM_SHARED((NPAD, H), jnp.float32),
        pltpu.SemaphoreType.DMA,
        pltpu.SemaphoreType.DMA,
        pltpu.SemaphoreType.DMA,
        pltpu.SemaphoreType.DMA,
    ],
    mesh=plsc.VectorSubcoreMesh(core_axis_name="c", subcore_axis_name="s",
                                num_cores=NC, num_subcores=NS),
  )(_agg_body)


def _agg_body(ed4, y_hbm, zrows, out,
              ip_a, ip_b, rows_a, rows_b, spm, sem_ia, sem_ib, sem_ga, sem_gb):
    c = lax.axis_index("c")
    s = lax.axis_index("s")
    w = s * NC + c
    Q = NCH // 4
    pltpu.sync_copy(zrows, spm.at[pl.ds(s * STRIPE, STRIPE)])
    plsc.subcore_barrier()

    pltpu.sync_copy(ed4.at[w, pl.ds(0, 2)], ip_a)
    pltpu.async_copy(ed4.at[w, pl.ds(2, 2)], ip_b, sem_ib)
    pltpu.async_copy(y_hbm.at[ip_a.at[0, 0]], rows_a, sem_ga)

    def quad(q, carry):
        b = 4 * q
        pltpu.async_copy(y_hbm.at[ip_a.at[1, 0]], rows_b, sem_gb)
        pltpu.make_async_copy(y_hbm.at[ip_a.at[0, 0]], rows_a, sem_ga).wait()
        pltpu.sync_copy(rows_a, spm.at[ip_a.at[0, 1]], add=True)

        pltpu.make_async_copy(ed4.at[w, pl.ds(0, 2)], ip_b, sem_ib).wait()
        pltpu.async_copy(y_hbm.at[ip_b.at[0, 0]], rows_a, sem_ga)
        pltpu.make_async_copy(y_hbm.at[ip_a.at[1, 0]], rows_b, sem_gb).wait()
        pltpu.sync_copy(rows_b, spm.at[ip_a.at[1, 1]], add=True)

        @pl.when(q < Q - 1)
        def _():
            pltpu.async_copy(ed4.at[w, pl.ds(b + 4, 2)], ip_a, sem_ia)

        pltpu.async_copy(y_hbm.at[ip_b.at[1, 0]], rows_b, sem_gb)
        pltpu.make_async_copy(y_hbm.at[ip_b.at[0, 0]], rows_a, sem_ga).wait()
        pltpu.sync_copy(rows_a, spm.at[ip_b.at[0, 1]], add=True)

        @pl.when(q < Q - 1)
        def _():
            pltpu.make_async_copy(ed4.at[w, pl.ds(0, 2)], ip_a, sem_ia).wait()
            pltpu.async_copy(y_hbm.at[ip_a.at[0, 0]], rows_a, sem_ga)

        pltpu.make_async_copy(y_hbm.at[ip_b.at[1, 0]], rows_b, sem_gb).wait()
        pltpu.sync_copy(rows_b, spm.at[ip_b.at[1, 1]], add=True)

        @pl.when(q < Q - 1)
        def _():
            pltpu.async_copy(ed4.at[w, pl.ds(b + 6, 2)], ip_b, sem_ib)

        return carry

    lax.fori_loop(0, Q, quad, 0)

    plsc.subcore_barrier()
    pltpu.sync_copy(spm.at[pl.ds(s * STRIPE, STRIPE)],
                    out.at[c, pl.ds(s * STRIPE, STRIPE)])


def _dinv_block(dp_ref):
    deg = 1.0 + dp_ref[0, :, 0:1] + dp_ref[1, :, 0:1]
    return lax.rsqrt(deg)


def _tc_a_body(x_ref, dp_ref, w_ref, y_ref):
    dinv = _dinv_block(dp_ref)
    xw = jnp.dot(x_ref[...], w_ref[...], preferred_element_type=jnp.float32)
    y_ref[...] = xw * dinv


def _tc_a(x, degp, W1):
    return pl.pallas_call(
        _tc_a_body,
        grid=(NBLK,),
        in_specs=[
            pl.BlockSpec((BLK, D), lambda i: (i, 0)),
            pl.BlockSpec((2, BLK, 8), lambda i: (0, i, 0)),
            pl.BlockSpec((D, H), lambda i: (0, 0)),
        ],
        out_specs=pl.BlockSpec((BLK, H), lambda i: (i, 0)),
        out_shape=jax.ShapeDtypeStruct((N, H), jnp.float32),
    )(x, degp, W1)


def _tc_b_body(ap_ref, y1_ref, dp_ref, w_ref, b_ref, y2_ref):
    dinv = _dinv_block(dp_ref)
    pre = dinv * (ap_ref[0] + ap_ref[1] + y1_ref[...]) + b_ref[...]
    h = jnp.maximum(pre, 0.0)
    hw = jnp.dot(h, w_ref[...], preferred_element_type=jnp.float32)
    y2_ref[...] = hw * dinv


def _tc_b(aggp, y1, degp, W2, b1):
    return pl.pallas_call(
        _tc_b_body,
        grid=(NBLK,),
        in_specs=[
            pl.BlockSpec((2, BLK, H), lambda i: (0, i, 0)),
            pl.BlockSpec((BLK, H), lambda i: (i, 0)),
            pl.BlockSpec((2, BLK, 8), lambda i: (0, i, 0)),
            pl.BlockSpec((H, H), lambda i: (0, 0)),
            pl.BlockSpec((1, H), lambda i: (0, 0)),
        ],
        out_specs=pl.BlockSpec((BLK, H), lambda i: (i, 0)),
        out_shape=jax.ShapeDtypeStruct((N, H), jnp.float32),
    )(aggp, y1, degp, W2, b1)


def _tc_c_body(ap_ref, y2_ref, dp_ref, b_ref, wc_ref, bc_ref,
               batch_ref, logits_ref, pooled_ref, pacc_ref, cacc_ref):
    i = pl.program_id(0)

    @pl.when(i == 0)
    def _():
        pacc_ref[...] = jnp.zeros_like(pacc_ref)
        cacc_ref[...] = jnp.zeros_like(cacc_ref)

    dinv = _dinv_block(dp_ref)
    pre = dinv * (ap_ref[0] + ap_ref[1] + y2_ref[...]) + b_ref[...]
    h2 = jnp.maximum(pre, 0.0)
    b = batch_ref[0, 0, :]
    gids = lax.broadcasted_iota(jnp.int32, (G, BLK), 0)
    onehot = (b[None, :] == gids).astype(jnp.float32)
    pacc_ref[...] += jnp.dot(onehot, h2, preferred_element_type=jnp.float32)
    cacc_ref[...] += jnp.dot(onehot, jnp.ones((BLK, 128), jnp.float32),
                             preferred_element_type=jnp.float32)

    @pl.when(i == NBLK - 1)
    def _():
        cnt = jnp.maximum(cacc_ref[...], 1.0)
        pooled = pacc_ref[...] / cnt
        pooled_ref[...] = pooled
        logits_ref[...] = (
            jnp.dot(pooled, wc_ref[...], preferred_element_type=jnp.float32)
            + bc_ref[...])


def _tc_c(aggp, y2, degp, b2, WcP, bcP, batch3):
    return pl.pallas_call(
        _tc_c_body,
        grid=(NBLK,),
        in_specs=[
            pl.BlockSpec((2, BLK, H), lambda i: (0, i, 0)),
            pl.BlockSpec((BLK, H), lambda i: (i, 0)),
            pl.BlockSpec((2, BLK, 8), lambda i: (0, i, 0)),
            pl.BlockSpec((1, H), lambda i: (0, 0)),
            pl.BlockSpec((H, 128), lambda i: (0, 0)),
            pl.BlockSpec((1, 128), lambda i: (0, 0)),
            pl.BlockSpec((1, 1, BLK), lambda i: (i, 0, 0)),
        ],
        out_specs=[
            pl.BlockSpec((G, 128), lambda i: (0, 0)),
            pl.BlockSpec((G, H), lambda i: (0, 0)),
        ],
        out_shape=[
            jax.ShapeDtypeStruct((G, 128), jnp.float32),
            jax.ShapeDtypeStruct((G, H), jnp.float32),
        ],
        scratch_shapes=[
            pltpu.VMEM((G, H), jnp.float32),
            pltpu.VMEM((G, 128), jnp.float32),
        ],
    )(aggp, y2, degp, b2, WcP, bcP, batch3)


def kernel(x, edge_index, batch, W1, b1, W2, b2, Wc, bc):
    pad = EP - E
    src_p = jnp.concatenate([edge_index[0],
                             jnp.arange(pad, dtype=jnp.int32) % N])
    dst_p = jnp.concatenate([edge_index[1],
                             N + (jnp.arange(pad, dtype=jnp.int32) % 112)])
    src3 = src_p.reshape(NW, NCH, CHUNK)
    dst3 = dst_p.reshape(NW, NCH, CHUNK)
    ed4 = jnp.stack([src3, dst3], axis=2)

    ones128 = jnp.ones((CHUNK, 128), jnp.float32)
    zrows = jnp.zeros((STRIPE, H), jnp.float32)

    deg_k = _deg_kernel_build()
    agg_k = _agg_kernel_build()
    degp = deg_k(ed4, zrows, ones128)[:, :, :8]
    y1 = _tc_a(x, degp, W1)
    agg1 = agg_k(ed4, y1, zrows)
    y2 = _tc_b(agg1, y1, degp, W2, b1.reshape(1, H))
    agg2 = agg_k(ed4, y2, zrows)

    WcP = jnp.pad(Wc, ((0, 0), (0, 128 - C)))
    bcP = jnp.pad(bc, (0, 128 - C)).reshape(1, 128)
    batch3 = batch.reshape(NBLK, 1, BLK)
    logitsP, pooled = _tc_c(agg2, y2, degp,
                            b2.reshape(1, H), WcP, bcP, batch3)
    return logitsP[:, :C], pooled

# --- scband reference (transcript-rebuilt; emitter-appended) ---
"""Pipeline reference for scband-simple-gnnfor-ood-55559696941389 (READ-ONLY COPY).

The authoritative reference and input builder live on the scoring server;
editing this copy changes nothing except your own understanding.
"""

import jax, jax.numpy as jnp
import numpy as np

N = 10000
E = 320000
D = 128
H = 128
C = 10
G = 128


def setup_inputs(seed: int = 0) -> dict:
    key = jax.random.key(seed)
    ks = jax.random.split(key, 10)
    x = jax.random.normal(ks[0], (N, D), dtype=jnp.float32)
    edge_index = jax.random.randint(ks[1], (2, E), 0, N, dtype=jnp.int32)
    batch = jnp.sort(jax.random.randint(ks[2], (N,), 0, G, dtype=jnp.int32))
    W1 = jax.random.normal(ks[3], (D, H), dtype=jnp.float32) * 0.05
    b1 = jnp.zeros((H,), dtype=jnp.float32)
    W2 = jax.random.normal(ks[4], (H, H), dtype=jnp.float32) * 0.05
    b2 = jnp.zeros((H,), dtype=jnp.float32)
    Wc = jax.random.normal(ks[5], (H, C), dtype=jnp.float32) * 0.05
    bc = jnp.zeros((C,), dtype=jnp.float32)
    return {"x": x, "edge_index": edge_index, "batch": batch,
            "W1": W1, "b1": b1, "W2": W2, "b2": b2, "Wc": Wc, "bc": bc}


def _gcn_conv(x, edge_index, W, b):
    # GCNConv: add self-loops, symmetric normalization, scatter-add aggregation
    xw = x @ W
    loop = jnp.arange(N, dtype=edge_index.dtype)
    src = jnp.concatenate([edge_index[0], loop])
    dst = jnp.concatenate([edge_index[1], loop])
    deg = jnp.zeros((N,), jnp.float32).at[dst].add(1.0)
    dinv = jnp.where(deg > 0, jax.lax.rsqrt(jnp.maximum(deg, 1e-12)), 0.0)
    norm = dinv[src] * dinv[dst]
    msg = xw[src] * norm[:, None]
    out = jnp.zeros((N, xw.shape[1]), jnp.float32).at[dst].add(msg)
    return out + b


def reference(x, edge_index, batch, W1, b1, W2, b2, Wc, bc):
    h = jax.nn.relu(_gcn_conv(x, edge_index, W1, b1))
    # dropout is identity in eval mode
    h = jax.nn.relu(_gcn_conv(h, edge_index, W2, b2))
    # global_mean_pool over graph batch vector
    seg_sum = jax.ops.segment_sum(h, batch, num_segments=G)
    cnt = jax.ops.segment_sum(jnp.ones((N,), jnp.float32), batch, num_segments=G)
    pooled = seg_sum / jnp.maximum(cnt, 1.0)[:, None]
    logits = pooled @ Wc + bc
    return (logits, pooled)

if __name__ == "__main__":
    import jax
    _d = setup_inputs()
    print(jax.jit(kernel)(*tuple(_d.values())))

</pallas_src>

<mosaic_0001>
#map = affine_map<(d0, d1) -> (0, 0, 0, 0)>
#map1 = affine_map<(d0, d1) -> (0, 0)>
#map2 = affine_map<(d0, d1) -> (0, 0, 0)>
module attributes {stable_mosaic.version = 14 : i64} {
  func.func @_agg_body(%arg0: i32, %arg1: i32, %arg2: memref<32x80x2x128xi32, #tpu.memory_space<hbm>>, %arg3: memref<10000x128xf32, #tpu.memory_space<hbm>>, %arg4: memref<632x128xf32, #tpu.memory_space<hbm>>, %arg5: memref<2x10112x128xf32, #tpu.memory_space<hbm>>, %arg6: memref<2x2x128xi32, #tpu.memory_space<vmem>>, %arg7: memref<2x2x128xi32, #tpu.memory_space<vmem>>, %arg8: memref<128x128xf32, #tpu.memory_space<vmem>>, %arg9: memref<128x128xf32, #tpu.memory_space<vmem>>, %arg10: memref<10112x128xf32, #tpu.memory_space<vmem_shared>>, %arg11: memref<!tpu.dma_semaphore, #tpu.memory_space<semaphore_mem>>, %arg12: memref<!tpu.dma_semaphore, #tpu.memory_space<semaphore_mem>>, %arg13: memref<!tpu.dma_semaphore, #tpu.memory_space<semaphore_mem>>, %arg14: memref<!tpu.dma_semaphore, #tpu.memory_space<semaphore_mem>>) attributes {dimension_semantics = [#tpu.dimension_semantics<core_parallel>, #tpu.dimension_semantics<subcore_parallel>], iteration_bounds = array<i64: 2, 16>, scalar_prefetch = 0 : i64, scratch_operands = 9 : i64, tpu.core_type = #tpu.core_type<sc_vector_subcore>, window_params = [{transform_indices = #map}, {transform_indices = #map1}, {transform_indices = #map1}, {transform_indices = #map2}]} {
    %mul3A = arith.constant 2 : i32
    %mul3A_0 = arith.muli %arg1, %mul3A : i32
    %add3A = arith.addi %mul3A_0, %arg0 : i32
    %mul3A_1 = arith.constant 632 : i32
    %mul3A_2 = arith.muli %arg1, %mul3A_1 : i32
    "tpu.region"() ({
      %run_scoped3A = tpu.sem_alloc : memref<!tpu.dma_semaphore, #tpu.memory_space<semaphore_mem>>
      %dma_start3A_30 = arith.constant 0 : i32
      %dma_start3A_31 = tpu.memref_slice %arg10[%mul3A_2, %dma_start3A_30] : memref<10112x128xf32, #tpu.memory_space<vmem_shared>> -> memref<632x128xf32, #tpu.memory_space<vmem_shared>>
      tpu.enqueue_dma source(%arg4 : memref<632x128xf32, #tpu.memory_space<hbm>>) target(%dma_start3A_31 : memref<632x128xf32, #tpu.memory_space<vmem_shared>>) target_semaphore(%run_scoped3A : memref<!tpu.dma_semaphore, #tpu.memory_space<semaphore_mem>>)
      %dma_wait3A = arith.constant 0 : i32
      %dma_wait3A_32 = tpu.memref_slice %arg10[%mul3A_2, %dma_wait3A] : memref<10112x128xf32, #tpu.memory_space<vmem_shared>> -> memref<632x128xf32, #tpu.memory_space<vmem_shared>>
      tpu.wait_dma2 semaphore(%run_scoped3A : memref<!tpu.dma_semaphore, #tpu.memory_space<semaphore_mem>>) src(%arg4 : memref<632x128xf32, #tpu.memory_space<hbm>>) dst(%dma_wait3A_32 : memref<632x128xf32, #tpu.memory_space<vmem_shared>>)
      tpu.yield
    }) : () -> ()
    %barrier3A = arith.constant 0 : index
    tpu.barrier barrier_id(%barrier3A)
    "tpu.region"() ({
      %run_scoped3A = tpu.sem_alloc : memref<!tpu.dma_semaphore, #tpu.memory_space<semaphore_mem>>
      %dma_start3A_30 = arith.constant 0 : i32
      %dma_start3A_31 = arith.constant 0 : i32
      %dma_start3A_32 = arith.constant 0 : i32
      %dma_start3A_33 = tpu.memref_slice %arg2[%add3A, %dma_start3A_30, %dma_start3A_31, %dma_start3A_32] : memref<32x80x2x128xi32, #tpu.memory_space<hbm>> -> memref<1x2x2x128xi32, #tpu.memory_space<hbm>>
      %dma_start3A_34 = tpu.memref_squeeze %dma_start3A_33 : memref<1x2x2x128xi32, #tpu.memory_space<hbm>> -> memref<2x2x128xi32, #tpu.memory_space<hbm>>
      %dma_start3A_35 = arith.constant 0 : i32
      %dma_start3A_36 = arith.constant 0 : i32
      %dma_start3A_37 = arith.constant 0 : i32
      %dma_start3A_38 = tpu.memref_slice %arg2[%add3A, %dma_start3A_35, %dma_start3A_36, %dma_start3A_37] : memref<32x80x2x128xi32, #tpu.memory_space<hbm>> -> memref<1x2x2x128xi32, #tpu.memory_space<hbm>>
      %dma_start3A_39 = tpu.memref_squeeze %dma_start3A_38 : memref<1x2x2x128xi32, #tpu.memory_space<hbm>> -> memref<2x2x128xi32, #tpu.memory_space<hbm>>
      tpu.enqueue_dma source(%dma_start3A_39 : memref<2x2x128xi32, #tpu.memory_space<hbm>>) target(%arg6 : memref<2x2x128xi32, #tpu.memory_space<vmem>>) target_semaphore(%run_scoped3A : memref<!tpu.dma_semaphore, #tpu.memory_space<semaphore_mem>>)
      %dma_wait3A = arith.constant 0 : i32
      %dma_wait3A_40 = arith.constant 0 : i32
      %dma_wait3A_41 = arith.constant 0 : i32
      %dma_wait3A_42 = tpu.memref_slice %arg2[%add3A, %dma_wait3A, %dma_wait3A_40, %dma_wait3A_41] : memref<32x80x2x128xi32, #tpu.memory_space<hbm>> -> memref<1x2x2x128xi32, #tpu.memory_space<hbm>>
      %dma_wait3A_43 = tpu.memref_squeeze %dma_wait3A_42 : memref<1x2x2x128xi32, #tpu.memory_space<hbm>> -> memref<2x2x128xi32, #tpu.memory_space<hbm>>
      %dma_wait3A_44 = arith.constant 0 : i32
      %dma_wait3A_45 = arith.constant 0 : i32
      %dma_wait3A_46 = arith.constant 0 : i32
      %dma_wait3A_47 = tpu.memref_slice %arg2[%add3A, %dma_wait3A_44, %dma_wait3A_45, %dma_wait3A_46] : memref<32x80x2x128xi32, #tpu.memory_space<hbm>> -> memref<1x2x2x128xi32, #tpu.memory_space<hbm>>
      %dma_wait3A_48 = tpu.memref_squeeze %dma_wait3A_47 : memref<1x2x2x128xi32, #tpu.memory_space<hbm>> -> memref<2x2x128xi32, #tpu.memory_space<hbm>>
      tpu.wait_dma2 semaphore(%run_scoped3A : memref<!tpu.dma_semaphore, #tpu.memory_space<semaphore_mem>>) src(%dma_wait3A_48 : memref<2x2x128xi32, #tpu.memory_space<hbm>>) dst(%arg6 : memref<2x2x128xi32, #tpu.memory_space<vmem>>)
      tpu.yield
    }) : () -> ()
    %dma_start3A = arith.constant 2 : i32
    %dma_start3A_3 = arith.constant 0 : i32
    %dma_start3A_4 = arith.constant 0 : i32
    %dma_start3A_5 = tpu.memref_slice %arg2[%add3A, %dma_start3A, %dma_start3A_3, %dma_start3A_4] : memref<32x80x2x128xi32, #tpu.memory_space<hbm>> -> memref<1x2x2x128xi32, #tpu.memory_space<hbm>>
    %dma_start3A_6 = tpu.memref_squeeze %dma_start3A_5 : memref<1x2x2x128xi32, #tpu.memory_space<hbm>> -> memref<2x2x128xi32, #tpu.memory_space<hbm>>
    %dma_start3A_7 = arith.constant 2 : i32
    %dma_start3A_8 = arith.constant 0 : i32
    %dma_start3A_9 = arith.constant 0 : i32
    %dma_start3A_10 = tpu.memref_slice %arg2[%add3A, %dma_start3A_7, %dma_start3A_8, %dma_start3A_9] : memref<32x80x2x128xi32, #tpu.memory_space<hbm>> -> memref<1x2x2x128xi32, #tpu.memory_space<hbm>>
    %dma_start3A_11 = tpu.memref_squeeze %dma_start3A_10 : memref<1x2x2x128xi32, #tpu.memory_space<hbm>> -> memref<2x2x128xi32, #tpu.memory_space<hbm>>
    tpu.enqueue_dma source(%dma_start3A_11 : memref<2x2x128xi32, #tpu.memory_space<hbm>>) target(%arg7 : memref<2x2x128xi32, #tpu.memory_space<vmem>>) target_semaphore(%arg12 : memref<!tpu.dma_semaphore, #tpu.memory_space<semaphore_mem>>)
    %dma_start3A_12 = arith.constant 0 : i32
    %dma_start3A_13 = arith.constant 0 : i32
    %dma_start3A_14 = arith.constant 0 : i32
    %dma_start3A_15 = tpu.memref_slice %arg6[%dma_start3A_12, %dma_start3A_13, %dma_start3A_14] : memref<2x2x128xi32, #tpu.memory_space<vmem>> -> memref<1x1x128xi32, #tpu.memory_space<vmem>>
    %dma_start3A_16 = tpu.memref_squeeze %dma_start3A_15 : memref<1x1x128xi32, #tpu.memory_space<vmem>> -> memref<128xi32, #tpu.memory_space<vmem>>
    %dma_start3A_17 = arith.constant 0 : i32
    %dma_start3A_18 = arith.constant 0 : i32
    %dma_start3A_19 = tpu.memref_slice %arg3[%dma_start3A_17, %dma_start3A_18] : memref<10000x128xf32, #tpu.memory_space<hbm>> -> memref<10000x128xf32, #tpu.memory_space<hbm>>
    tpu.enqueue_indirect_dma source(%dma_start3A_19 : memref<10000x128xf32, #tpu.memory_space<hbm>>) target(%arg8 : memref<128x128xf32, #tpu.memory_space<vmem>>) offsets(%dma_start3A_16 : memref<128xi32, #tpu.memory_space<vmem>>) semaphore(%arg13 : memref<!tpu.dma_semaphore, #tpu.memory_space<semaphore_mem>>)
    %scan3A = arith.constant 0 : i32
    %scan3A_20 = arith.constant 0 : i32
    %scan3A_21 = arith.constant 20 : i32
    %scan3A_22 = arith.addi %scan3A_20, %scan3A_21 : i32
    %scan3A_23 = arith.constant 1 : i32
    scf.for %scan3A_30 = %scan3A_20 to %scan3A_22 step %scan3A_23  : i32 {
      %mul3A_31 = arith.constant 4 : i32
      %mul3A_32 = arith.muli %mul3A_31, %scan3A_30 : i32
      %dma_start3A_33 = arith.constant 1 : i32
      %dma_start3A_34 = arith.constant 0 : i32
      %dma_start3A_35 = arith.constant 0 : i32
      %dma_start3A_36 = tpu.memref_slice %arg6[%dma_start3A_33, %dma_start3A_34, %dma_start3A_35] : memref<2x2x128xi32, #tpu.memory_space<vmem>> -> memref<1x1x128xi32, #tpu.memory_space<vmem>>
      %dma_start3A_37 = tpu.memref_squeeze %dma_start3A_36 : memref<1x1x128xi32, #tpu.memory_space<vmem>> -> memref<128xi32, #tpu.memory_space<vmem>>
      %dma_start3A_38 = arith.constant 0 : i32
      %dma_start3A_39 = arith.constant 0 : i32
      %dma_start3A_40 = tpu.memref_slice %arg3[%dma_start3A_38, %dma_start3A_39] : memref<10000x128xf32, #tpu.memory_space<hbm>> -> memref<10000x128xf32, #tpu.memory_space<hbm>>
      tpu.enqueue_indirect_dma source(%dma_start3A_40 : memref<10000x128xf32, #tpu.memory_space<hbm>>) target(%arg9 : memref<128x128xf32, #tpu.memory_space<vmem>>) offsets(%dma_start3A_37 : memref<128xi32, #tpu.memory_space<vmem>>) semaphore(%arg14 : memref<!tpu.dma_semaphore, #tpu.memory_space<semaphore_mem>>)
      %dma_wait3A = arith.constant 0 : i32
      %dma_wait3A_41 = arith.constant 0 : i32
      %dma_wait3A_42 = arith.constant 0 : i32
      %dma_wait3A_43 = tpu.memref_slice %arg6[%dma_wait3A, %dma_wait3A_41, %dma_wait3A_42] : memref<2x2x128xi32, #tpu.memory_space<vmem>> -> memref<1x1x128xi32, #tpu.memory_space<vmem>>
      %dma_wait3A_44 = tpu.memref_squeeze %dma_wait3A_43 : memref<1x1x128xi32, #tpu.memory_space<vmem>> -> memref<128xi32, #tpu.memory_space<vmem>>
      %dma_wait3A_45 = arith.constant 0 : i32
      %dma_wait3A_46 = arith.constant 0 : i32
      %dma_wait3A_47 = tpu.memref_slice %arg3[%dma_wait3A_45, %dma_wait3A_46] : memref<10000x128xf32, #tpu.memory_space<hbm>> -> memref<10000x128xf32, #tpu.memory_space<hbm>>
      tpu.wait_indirect_dma semaphore(%arg13 : memref<!tpu.dma_semaphore, #tpu.memory_space<semaphore_mem>>) src(%dma_wait3A_47 : memref<10000x128xf32, #tpu.memory_space<hbm>>) dst(%arg8 : memref<128x128xf32, #tpu.memory_space<vmem>>)
      %run_scoped3A = arith.constant 0 : i32
      %run_scoped3A_48 = arith.constant 1 : i32
      "tpu.region"() ({
        %run_scoped3A_117 = tpu.sem_alloc : memref<!tpu.dma_semaphore, #tpu.memory_space<semaphore_mem>>
        %dma_start3A_118 = arith.constant 0 : i32
        %dma_start3A_119 = tpu.memref_slice %arg6[%run_scoped3A, %run_scoped3A_48, %dma_start3A_118] : memref<2x2x128xi32, #tpu.memory_space<vmem>> -> memref<1x1x128xi32, #tpu.memory_space<vmem>>
        %dma_start3A_120 = tpu.memref_squeeze %dma_start3A_119 : memref<1x1x128xi32, #tpu.memory_space<vmem>> -> memref<128xi32, #tpu.memory_space<vmem>>
        %dma_start3A_121 = arith.constant 0 : i32
        %dma_start3A_122 = arith.constant 0 : i32
        %dma_start3A_123 = tpu.memref_slice %arg10[%dma_start3A_121, %dma_start3A_122] : memref<10112x128xf32, #tpu.memory_space<vmem_shared>> -> memref<10112x128xf32, #tpu.memory_space<vmem_shared>>
        tpu.enqueue_indirect_dma source(%arg8 : memref<128x128xf32, #tpu.memory_space<vmem>>) target(%dma_start3A_123 : memref<10112x128xf32, #tpu.memory_space<vmem_shared>>) offsets(%dma_start3A_120 : memref<128xi32, #tpu.memory_space<vmem>>) semaphore(%run_scoped3A_117 : memref<!tpu.dma_semaphore, #tpu.memory_space<semaphore_mem>>) {add = true}
        %dma_wait3A_124 = arith.constant 0 : i32
        %dma_wait3A_125 = tpu.memref_slice %arg6[%run_scoped3A, %run_scoped3A_48, %dma_wait3A_124] : memref<2x2x128xi32, #tpu.memory_space<vmem>> -> memref<1x1x128xi32, #tpu.memory_space<vmem>>
        %dma_wait3A_126 = tpu.memref_squeeze %dma_wait3A_125 : memref<1x1x128xi32, #tpu.memory_space<vmem>> -> memref<128xi32, #tpu.memory_space<vmem>>
        %dma_wait3A_127 = arith.constant 0 : i32
        %dma_wait3A_128 = arith.constant 0 : i32
        %dma_wait3A_129 = tpu.memref_slice %arg10[%dma_wait3A_127, %dma_wait3A_128] : memref<10112x128xf32, #tpu.memory_space<vmem_shared>> -> memref<10112x128xf32, #tpu.memory_space<vmem_shared>>
        tpu.wait_indirect_dma semaphore(%run_scoped3A_117 : memref<!tpu.dma_semaphore, #tpu.memory_space<semaphore_mem>>) src(%arg8 : memref<128x128xf32, #tpu.memory_space<vmem>>) dst(%dma_wait3A_129 : memref<10112x128xf32, #tpu.memory_space<vmem_shared>>)
        tpu.yield
      }) : () -> ()
      %dma_wait3A_49 = arith.constant 0 : i32
      %dma_wait3A_50 = arith.constant 0 : i32
      %dma_wait3A_51 = arith.constant 0 : i32
      %dma_wait3A_52 = tpu.memref_slice %arg2[%add3A, %dma_wait3A_49, %dma_wait3A_50, %dma_wait3A_51] : memref<32x80x2x128xi32, #tpu.memory_space<hbm>> -> memref<1x2x2x128xi32, #tpu.memory_space<hbm>>
      %dma_wait3A_53 = tpu.memref_squeeze %dma_wait3A_52 : memref<1x2x2x128xi32, #tpu.memory_space<hbm>> -> memref<2x2x128xi32, #tpu.memory_space<hbm>>
      %dma_wait3A_54 = arith.constant 0 : i32
      %dma_wait3A_55 = arith.constant 0 : i32
      %dma_wait3A_56 = arith.constant 0 : i32
      %dma_wait3A_57 = tpu.memref_slice %arg2[%add3A, %dma_wait3A_54, %dma_wait3A_55, %dma_wait3A_56] : memref<32x80x2x128xi32, #tpu.memory_space<hbm>> -> memref<1x2x2x128xi32, #tpu.memory_space<hbm>>
      %dma_wait3A_58 = tpu.memref_squeeze %dma_wait3A_57 : memref<1x2x2x128xi32, #tpu.memory_space<hbm>> -> memref<2x2x128xi32, #tpu.memory_space<hbm>>
      tpu.wait_dma2 semaphore(%arg12 : memref<!tpu.dma_semaphore, #tpu.memory_space<semaphore_mem>>) src(%dma_wait3A_58 : memref<2x2x128xi32, #tpu.memory_space<hbm>>) dst(%arg7 : memref<2x2x128xi32, #tpu.memory_space<vmem>>)
      %dma_start3A_59 = arith.constant 0 : i32
      %dma_start3A_60 = arith.constant 0 : i32
      %dma_start3A_61 = arith.constant 0 : i32
      %dma_start3A_62 = tpu.memref_slice %arg7[%dma_start3A_59, %dma_start3A_60, %dma_start3A_61] : memref<2x2x128xi32, #tpu.memory_space<vmem>> -> memref<1x1x128xi32, #tpu.memory_space<vmem>>
      %dma_start3A_63 = tpu.memref_squeeze %dma_start3A_62 : memref<1x1x128xi32, #tpu.memory_space<vmem>> -> memref<128xi32, #tpu.memory_space<vmem>>
      %dma_start3A_64 = arith.constant 0 : i32
      %dma_start3A_65 = arith.constant 0 : i32
      %dma_start3A_66 = tpu.memref_slice %arg3[%dma_start3A_64, %dma_start3A_65] : memref<10000x128xf32, #tpu.memory_space<hbm>> -> memref<10000x128xf32, #tpu.memory_space<hbm>>
      tpu.enqueue_indirect_dma source(%dma_start3A_66 : memref<10000x128xf32, #tpu.memory_space<hbm>>) target(%arg8 : memref<128x128xf32, #tpu.memory_space<vmem>>) offsets(%dma_start3A_63 : memref<128xi32, #tpu.memory_space<vmem>>) semaphore(%arg13 : memref<!tpu.dma_semaphore, #tpu.memory_space<semaphore_mem>>)
      %dma_wait3A_67 = arith.constant 1 : i32
      %dma_wait3A_68 = arith.constant 0 : i32
      %dma_wait3A_69 = arith.constant 0 : i32
      %dma_wait3A_70 = tpu.memref_slice %arg6[%dma_wait3A_67, %dma_wait3A_68, %dma_wait3A_69] : memref<2x2x128xi32, #tpu.memory_space<vmem>> -> memref<1x1x128xi32, #tpu.memory_space<vmem>>
      %dma_wait3A_71 = tpu.memref_squeeze %dma_wait3A_70 : memref<1x1x128xi32, #tpu.memory_space<vmem>> -> memref<128xi32, #tpu.memory_space<vmem>>
      %dma_wait3A_72 = arith.constant 0 : i32
      %dma_wait3A_73 = arith.constant 0 : i32
      %dma_wait3A_74 = tpu.memref_slice %arg3[%dma_wait3A_72, %dma_wait3A_73] : memref<10000x128xf32, #tpu.memory_space<hbm>> -> memref<10000x128xf32, #tpu.memory_space<hbm>>
      tpu.wait_indirect_dma semaphore(%arg14 : memref<!tpu.dma_semaphore, #tpu.memory_space<semaphore_mem>>) src(%dma_wait3A_74 : memref<10000x128xf32, #tpu.memory_space<hbm>>) dst(%arg9 : memref<128x128xf32, #tpu.memory_space<vmem>>)
      %run_scoped3A_75 = arith.constant 1 : i32
      %run_scoped3A_76 = arith.constant 1 : i32
      "tpu.region"() ({
        %run_scoped3A_117 = tpu.sem_alloc : memref<!tpu.dma_semaphore, #tpu.memory_space<semaphore_mem>>
        %dma_start3A_118 = arith.constant 0 : i32
        %dma_start3A_119 = tpu.memref_slice %arg6[%run_scoped3A_75, %run_scoped3A_76, %dma_start3A_118] : memref<2x2x128xi32, #tpu.memory_space<vmem>> -> memref<1x1x128xi32, #tpu.memory_space<vmem>>
        %dma_start3A_120 = tpu.memref_squeeze %dma_start3A_119 : memref<1x1x128xi32, #tpu.memory_space<vmem>> -> memref<128xi32, #tpu.memory_space<vmem>>
        %dma_start3A_121 = arith.constant 0 : i32
        %dma_start3A_122 = arith.constant 0 : i32
        %dma_start3A_123 = tpu.memref_slice %arg10[%dma_start3A_121, %dma_start3A_122] : memref<10112x128xf32, #tpu.memory_space<vmem_shared>> -> memref<10112x128xf32, #tpu.memory_space<vmem_shared>>
        tpu.enqueue_indirect_dma source(%arg9 : memref<128x128xf32, #tpu.memory_space<vmem>>) target(%dma_start3A_123 : memref<10112x128xf32, #tpu.memory_space<vmem_shared>>) offsets(%dma_start3A_120 : memref<128xi32, #tpu.memory_space<vmem>>) semaphore(%run_scoped3A_117 : memref<!tpu.dma_semaphore, #tpu.memory_space<semaphore_mem>>) {add = true}
        %dma_wait3A_124 = arith.constant 0 : i32
        %dma_wait3A_125 = tpu.memref_slice %arg6[%run_scoped3A_75, %run_scoped3A_76, %dma_wait3A_124] : memref<2x2x128xi32, #tpu.memory_space<vmem>> -> memref<1x1x128xi32, #tpu.memory_space<vmem>>
        %dma_wait3A_126 = tpu.memref_squeeze %dma_wait3A_125 : memref<1x1x128xi32, #tpu.memory_space<vmem>> -> memref<128xi32, #tpu.memory_space<vmem>>
        %dma_wait3A_127 = arith.constant 0 : i32
        %dma_wait3A_128 = arith.constant 0 : i32
        %dma_wait3A_129 = tpu.memref_slice %arg10[%dma_wait3A_127, %dma_wait3A_128] : memref<10112x128xf32, #tpu.memory_space<vmem_shared>> -> memref<10112x128xf32, #tpu.memory_space<vmem_shared>>
        tpu.wait_indirect_dma semaphore(%run_scoped3A_117 : memref<!tpu.dma_semaphore, #tpu.memory_space<semaphore_mem>>) src(%arg9 : memref<128x128xf32, #tpu.memory_space<vmem>>) dst(%dma_wait3A_129 : memref<10112x128xf32, #tpu.memory_space<vmem_shared>>)
        tpu.yield
      }) : () -> ()
      %lt3A = arith.constant 19 : i32
      %lt3A_77 = arith.cmpi slt, %scan3A_30, %lt3A : i32
      %convert_element_type3A = arith.extui %lt3A_77 : i1 to i32
      %cond3A = arith.constant 0 : i32
      %cond3A_78 = arith.cmpi ne, %convert_element_type3A, %cond3A : i32
      scf.if %cond3A_78 {
        %add3A_117 = arith.constant 4 : i32
        %add3A_118 = arith.addi %mul3A_32, %add3A_117 : i32
        %dma_start3A_119 = arith.constant 0 : i32
        %dma_start3A_120 = arith.constant 0 : i32
        %dma_start3A_121 = tpu.memref_slice %arg2[%add3A, %add3A_118, %dma_start3A_119, %dma_start3A_120] : memref<32x80x2x128xi32, #tpu.memory_space<hbm>> -> memref<1x2x2x128xi32, #tpu.memory_space<hbm>>
        %dma_start3A_122 = tpu.memref_squeeze %dma_start3A_121 : memref<1x2x2x128xi32, #tpu.memory_space<hbm>> -> memref<2x2x128xi32, #tpu.memory_space<hbm>>
        %dma_start3A_123 = arith.constant 0 : i32
        %dma_start3A_124 = arith.constant 0 : i32
        %dma_start3A_125 = tpu.memref_slice %arg2[%add3A, %add3A_118, %dma_start3A_123, %dma_start3A_124] : memref<32x80x2x128xi32, #tpu.memory_space<hbm>> -> memref<1x2x2x128xi32, #tpu.memory_space<hbm>>
        %dma_start3A_126 = tpu.memref_squeeze %dma_start3A_125 : memref<1x2x2x128xi32, #tpu.memory_space<hbm>> -> memref<2x2x128xi32, #tpu.memory_space<hbm>>
        tpu.enqueue_dma source(%dma_start3A_126 : memref<2x2x128xi32, #tpu.memory_space<hbm>>) target(%arg6 : memref<2x2x128xi32, #tpu.memory_space<vmem>>) target_semaphore(%arg11 : memref<!tpu.dma_semaphore, #tpu.memory_space<semaphore_mem>>)
      } else {
      }
      %dma_start3A_79 = arith.constant 1 : i32
      %dma_start3A_80 = arith.constant 0 : i32
      %dma_start3A_81 = arith.constant 0 : i32
      %dma_start3A_82 = tpu.memref_slice %arg7[%dma_start3A_79, %dma_start3A_80, %dma_start3A_81] : memref<2x2x128xi32, #tpu.memory_space<vmem>> -> memref<1x1x128xi32, #tpu.memory_space<vmem>>
      %dma_start3A_83 = tpu.memref_squeeze %dma_start3A_82 : memref<1x1x128xi32, #tpu.memory_space<vmem>> -> memref<128xi32, #tpu.memory_space<vmem>>
      %dma_start3A_84 = arith.constant 0 : i32
      %dma_start3A_85 = arith.constant 0 : i32
      %dma_start3A_86 = tpu.memref_slice %arg3[%dma_start3A_84, %dma_start3A_85] : memref<10000x128xf32, #tpu.memory_space<hbm>> -> memref<10000x128xf32, #tpu.memory_space<hbm>>
      tpu.enqueue_indirect_dma source(%dma_start3A_86 : memref<10000x128xf32, #tpu.memory_space<hbm>>) target(%arg9 : memref<128x128xf32, #tpu.memory_space<vmem>>) offsets(%dma_start3A_83 : memref<128xi32, #tpu.memory_space<vmem>>) semaphore(%arg14 : memref<!tpu.dma_semaphore, #tpu.memory_space<semaphore_mem>>)
      %dma_wait3A_87 = arith.constant 0 : i32
      %dma_wait3A_88 = arith.constant 0 : i32
      %dma_wait3A_89 = arith.constant 0 : i32
      %dma_wait3A_90 = tpu.memref_slice %arg7[%dma_wait3A_87, %dma_wait3A_88, %dma_wait3A_89] : memref<2x2x128xi32, #tpu.memory_space<vmem>> -> memref<1x1x128xi32, #tpu.memory_space<vmem>>
      %dma_wait3A_91 = tpu.memref_squeeze %dma_wait3A_90 : memref<1x1x128xi32, #tpu.memory_space<vmem>> -> memref<128xi32, #tpu.memory_space<vmem>>
      %dma_wait3A_92 = arith.constant 0 : i32
      %dma_wait3A_93 = arith.constant 0 : i32
      %dma_wait3A_94 = tpu.memref_slice %arg3[%dma_wait3A_92, %dma_wait3A_93] : memref<10000x128xf32, #tpu.memory_space<hbm>> -> memref<10000x128xf32, #tpu.memory_space<hbm>>
      tpu.wait_indirect_dma semaphore(%arg13 : memref<!tpu.dma_semaphore, #tpu.memory_space<semaphore_mem>>) src(%dma_wait3A_94 : memref<10000x128xf32, #tpu.memory_space<hbm>>) dst(%arg8 : memref<128x128xf32, #tpu.memory_space<vmem>>)
      %run_scoped3A_95 = arith.constant 0 : i32
      %run_scoped3A_96 = arith.constant 1 : i32
      "tpu.region"() ({
        %run_scoped3A_117 = tpu.sem_alloc : memref<!tpu.dma_semaphore, #tpu.memory_space<semaphore_mem>>
        %dma_start3A_118 = arith.constant 0 : i32
        %dma_start3A_119 = tpu.memref_slice %arg7[%run_scoped3A_95, %run_scoped3A_96, %dma_start3A_118] : memref<2x2x128xi32, #tpu.memory_space<vmem>> -> memref<1x1x128xi32, #tpu.memory_space<vmem>>
        %dma_start3A_120 = tpu.memref_squeeze %dma_start3A_119 : memref<1x1x128xi32, #tpu.memory_space<vmem>> -> memref<128xi32, #tpu.memory_space<vmem>>
        %dma_start3A_121 = arith.constant 0 : i32
        %dma_start3A_122 = arith.constant 0 : i32
        %dma_start3A_123 = tpu.memref_slice %arg10[%dma_start3A_121, %dma_start3A_122] : memref<10112x128xf32, #tpu.memory_space<vmem_shared>> -> memref<10112x128xf32, #tpu.memory_space<vmem_shared>>
        tpu.enqueue_indirect_dma source(%arg8 : memref<128x128xf32, #tpu.memory_space<vmem>>) target(%dma_start3A_123 : memref<10112x128xf32, #tpu.memory_space<vmem_shared>>) offsets(%dma_start3A_120 : memref<128xi32, #tpu.memory_space<vmem>>) semaphore(%run_scoped3A_117 : memref<!tpu.dma_semaphore, #tpu.memory_space<semaphore_mem>>) {add = true}
        %dma_wait3A_124 = arith.constant 0 : i32
        %dma_wait3A_125 = tpu.memref_slice %arg7[%run_scoped3A_95, %run_scoped3A_96, %dma_wait3A_124] : memref<2x2x128xi32, #tpu.memory_space<vmem>> -> memref<1x1x128xi32, #tpu.memory_space<vmem>>
        %dma_wait3A_126 = tpu.memref_squeeze %dma_wait3A_125 : memref<1x1x128xi32, #tpu.memory_space<vmem>> -> memref<128xi32, #tpu.memory_space<vmem>>
        %dma_wait3A_127 = arith.constant 0 : i32
        %dma_wait3A_128 = arith.constant 0 : i32
        %dma_wait3A_129 = tpu.memref_slice %arg10[%dma_wait3A_127, %dma_wait3A_128] : memref<10112x128xf32, #tpu.memory_space<vmem_shared>> -> memref<10112x128xf32, #tpu.memory_space<vmem_shared>>
        tpu.wait_indirect_dma semaphore(%run_scoped3A_117 : memref<!tpu.dma_semaphore, #tpu.memory_space<semaphore_mem>>) src(%arg8 : memref<128x128xf32, #tpu.memory_space<vmem>>) dst(%dma_wait3A_129 : memref<10112x128xf32, #tpu.memory_space<vmem_shared>>)
        tpu.yield
      }) : () -> ()
      %lt3A_97 = arith.constant 19 : i32
      %lt3A_98 = arith.cmpi slt, %scan3A_30, %lt3A_97 : i32
      %convert_element_type3A_99 = arith.extui %lt3A_98 : i1 to i32
      %cond3A_100 = arith.constant 0 : i32
      %cond3A_101 = arith.cmpi ne, %convert_element_type3A_99, %cond3A_100 : i32
      scf.if %cond3A_101 {
        %dma_wait3A_117 = arith.constant 0 : i32
        %dma_wait3A_118 = arith.constant 0 : i32
        %dma_wait3A_119 = arith.constant 0 : i32
        %dma_wait3A_120 = tpu.memref_slice %arg2[%add3A, %dma_wait3A_117, %dma_wait3A_118, %dma_wait3A_119] : memref<32x80x2x128xi32, #tpu.memory_space<hbm>> -> memref<1x2x2x128xi32, #tpu.memory_space<hbm>>
        %dma_wait3A_121 = tpu.memref_squeeze %dma_wait3A_120 : memref<1x2x2x128xi32, #tpu.memory_space<hbm>> -> memref<2x2x128xi32, #tpu.memory_space<hbm>>
        %dma_wait3A_122 = arith.constant 0 : i32
        %dma_wait3A_123 = arith.constant 0 : i32
        %dma_wait3A_124 = arith.constant 0 : i32
        %dma_wait3A_125 = tpu.memref_slice %arg2[%add3A, %dma_wait3A_122, %dma_wait3A_123, %dma_wait3A_124] : memref<32x80x2x128xi32, #tpu.memory_space<hbm>> -> memref<1x2x2x128xi32, #tpu.memory_space<hbm>>
        %dma_wait3A_126 = tpu.memref_squeeze %dma_wait3A_125 : memref<1x2x2x128xi32, #tpu.memory_space<hbm>> -> memref<2x2x128xi32, #tpu.memory_space<hbm>>
        tpu.wait_dma2 semaphore(%arg11 : memref<!tpu.dma_semaphore, #tpu.memory_space<semaphore_mem>>) src(%dma_wait3A_126 : memref<2x2x128xi32, #tpu.memory_space<hbm>>) dst(%arg6 : memref<2x2x128xi32, #tpu.memory_space<vmem>>)
        %dma_start3A_127 = arith.constant 0 : i32
        %dma_start3A_128 = arith.constant 0 : i32
        %dma_start3A_129 = arith.constant 0 : i32
        %dma_start3A_130 = tpu.memref_slice %arg6[%dma_start3A_127, %dma_start3A_128, %dma_start3A_129] : memref<2x2x128xi32, #tpu.memory_space<vmem>> -> memref<1x1x128xi32, #tpu.memory_space<vmem>>
        %dma_start3A_131 = tpu.memref_squeeze %dma_start3A_130 : memref<1x1x128xi32, #tpu.memory_space<vmem>> -> memref<128xi32, #tpu.memory_space<vmem>>
        %dma_start3A_132 = arith.constant 0 : i32
        %dma_start3A_133 = arith.constant 0 : i32
        %dma_start3A_134 = tpu.memref_slice %arg3[%dma_start3A_132, %dma_start3A_133] : memref<10000x128xf32, #tpu.memory_space<hbm>> -> memref<10000x128xf32, #tpu.memory_space<hbm>>
        tpu.enqueue_indirect_dma source(%dma_start3A_134 : memref<10000x128xf32, #tpu.memory_space<hbm>>) target(%arg8 : memref<128x128xf32, #tpu.memory_space<vmem>>) offsets(%dma_start3A_131 : memref<128xi32, #tpu.memory_space<vmem>>) semaphore(%arg13 : memref<!tpu.dma_semaphore, #tpu.memory_space<semaphore_mem>>)
      } else {
      }
      %dma_wait3A_102 = arith.constant 1 : i32
      %dma_wait3A_103 = arith.constant 0 : i32
      %dma_wait3A_104 = arith.constant 0 : i32
      %dma_wait3A_105 = tpu.memref_slice %arg7[%dma_wait3A_102, %dma_wait3A_103, %dma_wait3A_104] : memref<2x2x128xi32, #tpu.memory_space<vmem>> -> memref<1x1x128xi32, #tpu.memory_space<vmem>>
      %dma_wait3A_106 = tpu.memref_squeeze %dma_wait3A_105 : memref<1x1x128xi32, #tpu.memory_space<vmem>> -> memref<128xi32, #tpu.memory_space<vmem>>
      %dma_wait3A_107 = arith.constant 0 : i32
      %dma_wait3A_108 = arith.constant 0 : i32
      %dma_wait3A_109 = tpu.memref_slice %arg3[%dma_wait3A_107, %dma_wait3A_108] : memref<10000x128xf32, #tpu.memory_space<hbm>> -> memref<10000x128xf32, #tpu.memory_space<hbm>>
      tpu.wait_indirect_dma semaphore(%arg14 : memref<!tpu.dma_semaphore, #tpu.memory_space<semaphore_mem>>) src(%dma_wait3A_109 : memref<10000x128xf32, #tpu.memory_space<hbm>>) dst(%arg9 : memref<128x128xf32, #tpu.memory_space<vmem>>)
      %run_scoped3A_110 = arith.constant 1 : i32
      %run_scoped3A_111 = arith.constant 1 : i32
      "tpu.region"() ({
        %run_scoped3A_117 = tpu.sem_alloc : memref<!tpu.dma_semaphore, #tpu.memory_space<semaphore_mem>>
        %dma_start3A_118 = arith.constant 0 : i32
        %dma_start3A_119 = tpu.memref_slice %arg7[%run_scoped3A_110, %run_scoped3A_111, %dma_start3A_118] : memref<2x2x128xi32, #tpu.memory_space<vmem>> -> memref<1x1x128xi32, #tpu.memory_space<vmem>>
        %dma_start3A_120 = tpu.memref_squeeze %dma_start3A_119 : memref<1x1x128xi32, #tpu.memory_space<vmem>> -> memref<128xi32, #tpu.memory_space<vmem>>
        %dma_start3A_121 = arith.constant 0 : i32
        %dma_start3A_122 = arith.constant 0 : i32
        %dma_start3A_123 = tpu.memref_slice %arg10[%dma_start3A_121, %dma_start3A_122] : memref<10112x128xf32, #tpu.memory_space<vmem_shared>> -> memref<10112x128xf32, #tpu.memory_space<vmem_shared>>
        tpu.enqueue_indirect_dma source(%arg9 : memref<128x128xf32, #tpu.memory_space<vmem>>) target(%dma_start3A_123 : memref<10112x128xf32, #tpu.memory_space<vmem_shared>>) offsets(%dma_start3A_120 : memref<128xi32, #tpu.memory_space<vmem>>) semaphore(%run_scoped3A_117 : memref<!tpu.dma_semaphore, #tpu.memory_space<semaphore_mem>>) {add = true}
        %dma_wait3A_124 = arith.constant 0 : i32
        %dma_wait3A_125 = tpu.memref_slice %arg7[%run_scoped3A_110, %run_scoped3A_111, %dma_wait3A_124] : memref<2x2x128xi32, #tpu.memory_space<vmem>> -> memref<1x1x128xi32, #tpu.memory_space<vmem>>
        %dma_wait3A_126 = tpu.memref_squeeze %dma_wait3A_125 : memref<1x1x128xi32, #tpu.memory_space<vmem>> -> memref<128xi32, #tpu.memory_space<vmem>>
        %dma_wait3A_127 = arith.constant 0 : i32
        %dma_wait3A_128 = arith.constant 0 : i32
        %dma_wait3A_129 = tpu.memref_slice %arg10[%dma_wait3A_127, %dma_wait3A_128] : memref<10112x128xf32, #tpu.memory_space<vmem_shared>> -> memref<10112x128xf32, #tpu.memory_space<vmem_shared>>
        tpu.wait_indirect_dma semaphore(%run_scoped3A_117 : memref<!tpu.dma_semaphore, #tpu.memory_space<semaphore_mem>>) src(%arg9 : memref<128x128xf32, #tpu.memory_space<vmem>>) dst(%dma_wait3A_129 : memref<10112x128xf32, #tpu.memory_space<vmem_shared>>)
        tpu.yield
      }) : () -> ()
      %lt3A_112 = arith.constant 19 : i32
      %lt3A_113 = arith.cmpi slt, %scan3A_30, %lt3A_112 : i32
      %convert_element_type3A_114 = arith.extui %lt3A_113 : i1 to i32
      %cond3A_115 = arith.constant 0 : i32
      %cond3A_116 = arith.cmpi ne, %convert_element_type3A_114, %cond3A_115 : i32
      scf.if %cond3A_116 {
        %add3A_117 = arith.constant 6 : i32
        %add3A_118 = arith.addi %mul3A_32, %add3A_117 : i32
        %dma_start3A_119 = arith.constant 0 : i32
        %dma_start3A_120 = arith.constant 0 : i32
        %dma_start3A_121 = tpu.memref_slice %arg2[%add3A, %add3A_118, %dma_start3A_119, %dma_start3A_120] : memref<32x80x2x128xi32, #tpu.memory_space<hbm>> -> memref<1x2x2x128xi32, #tpu.memory_space<hbm>>
        %dma_start3A_122 = tpu.memref_squeeze %dma_start3A_121 : memref<1x2x2x128xi32, #tpu.memory_space<hbm>> -> memref<2x2x128xi32, #tpu.memory_space<hbm>>
        %dma_start3A_123 = arith.constant 0 : i32
        %dma_start3A_124 = arith.constant 0 : i32
        %dma_start3A_125 = tpu.memref_slice %arg2[%add3A, %add3A_118, %dma_start3A_123, %dma_start3A_124] : memref<32x80x2x128xi32, #tpu.memory_space<hbm>> -> memref<1x2x2x128xi32, #tpu.memory_space<hbm>>
        %dma_start3A_126 = tpu.memref_squeeze %dma_start3A_125 : memref<1x2x2x128xi32, #tpu.memory_space<hbm>> -> memref<2x2x128xi32, #tpu.memory_space<hbm>>
        tpu.enqueue_dma source(%dma_start3A_126 : memref<2x2x128xi32, #tpu.memory_space<hbm>>) target(%arg7 : memref<2x2x128xi32, #tpu.memory_space<vmem>>) target_semaphore(%arg12 : memref<!tpu.dma_semaphore, #tpu.memory_space<semaphore_mem>>)
      } else {
      }
    }
    %scan3A_24 = arith.constant 20 : i32
    %barrier3A_25 = arith.constant 0 : index
    tpu.barrier barrier_id(%barrier3A_25)
    %mul3A_26 = arith.constant 632 : i32
    %mul3A_27 = arith.muli %arg1, %mul3A_26 : i32
    %mul3A_28 = arith.constant 632 : i32
    %mul3A_29 = arith.muli %arg1, %mul3A_28 : i32
    "tpu.region"() ({
      %run_scoped3A = tpu.sem_alloc : memref<!tpu.dma_semaphore, #tpu.memory_space<semaphore_mem>>
      %dma_start3A_30 = arith.constant 0 : i32
      %dma_start3A_31 = tpu.memref_slice %arg5[%arg0, %mul3A_29, %dma_start3A_30] : memref<2x10112x128xf32, #tpu.memory_space<hbm>> -> memref<1x632x128xf32, #tpu.memory_space<hbm>>
      %dma_start3A_32 = tpu.memref_squeeze %dma_start3A_31 : memref<1x632x128xf32, #tpu.memory_space<hbm>> -> memref<632x128xf32, #tpu.memory_space<hbm>>
      %dma_start3A_33 = arith.constant 0 : i32
      %dma_start3A_34 = tpu.memref_slice %arg10[%mul3A_27, %dma_start3A_33] : memref<10112x128xf32, #tpu.memory_space<vmem_shared>> -> memref<632x128xf32, #tpu.memory_space<vmem_shared>>
      tpu.enqueue_dma source(%dma_start3A_34 : memref<632x128xf32, #tpu.memory_space<vmem_shared>>) target(%dma_start3A_32 : memref<632x128xf32, #tpu.memory_space<hbm>>) target_semaphore(%run_scoped3A : memref<!tpu.dma_semaphore, #tpu.memory_space<semaphore_mem>>)
      %dma_wait3A = arith.constant 0 : i32
      %dma_wait3A_35 = tpu.memref_slice %arg5[%arg0, %mul3A_29, %dma_wait3A] : memref<2x10112x128xf32, #tpu.memory_space<hbm>> -> memref<1x632x128xf32, #tpu.memory_space<hbm>>
      %dma_wait3A_36 = tpu.memref_squeeze %dma_wait3A_35 : memref<1x632x128xf32, #tpu.memory_space<hbm>> -> memref<632x128xf32, #tpu.memory_space<hbm>>
      %dma_wait3A_37 = arith.constant 0 : i32
      %dma_wait3A_38 = tpu.memref_slice %arg10[%mul3A_27, %dma_wait3A_37] : memref<10112x128xf32, #tpu.memory_space<vmem_shared>> -> memref<632x128xf32, #tpu.memory_space<vmem_shared>>
      tpu.wait_dma2 semaphore(%run_scoped3A : memref<!tpu.dma_semaphore, #tpu.memory_space<semaphore_mem>>) src(%dma_wait3A_38 : memref<632x128xf32, #tpu.memory_space<vmem_shared>>) dst(%dma_wait3A_36 : memref<632x128xf32, #tpu.memory_space<hbm>>)
      tpu.yield
    }) : () -> ()
    return
  }
}

#map = affine_map<(d0, d1) -> (0, 0, 0, 0)>
#map1 = affine_map<(d0, d1) -> (0, 0)>
#map2 = affine_map<(d0, d1) -> (0, 0, 0)>
module attributes {stable_mosaic.version = 14 : i64} {
  func.func @_agg_body(%arg0: i32, %arg1: i32, %arg2: memref<32x80x2x128xi32, #tpu.memory_space<hbm>>, %arg3: memref<10000x128xf32, #tpu.memory_space<hbm>>, %arg4: memref<632x128xf32, #tpu.memory_space<hbm>>, %arg5: memref<2x10112x128xf32, #tpu.memory_space<hbm>>, %arg6: memref<2x2x128xi32, #tpu.memory_space<vmem>>, %arg7: memref<2x2x128xi32, #tpu.memory_space<vmem>>, %arg8: memref<128x128xf32, #tpu.memory_space<vmem>>, %arg9: memref<128x128xf32, #tpu.memory_space<vmem>>, %arg10: memref<10112x128xf32, #tpu.memory_space<vmem_shared>>, %arg11: memref<!tpu.dma_semaphore, #tpu.memory_space<semaphore_mem>>, %arg12: memref<!tpu.dma_semaphore, #tpu.memory_space<semaphore_mem>>, %arg13: memref<!tpu.dma_semaphore, #tpu.memory_space<semaphore_mem>>, %arg14: memref<!tpu.dma_semaphore, #tpu.memory_space<semaphore_mem>>) attributes {dimension_semantics = [#tpu.dimension_semantics<core_parallel>, #tpu.dimension_semantics<subcore_parallel>], iteration_bounds = array<i64: 2, 16>, scalar_prefetch = 0 : i64, scratch_operands = 9 : i64, tpu.core_type = #tpu.core_type<sc_vector_subcore>, window_params = [{transform_indices = #map}, {transform_indices = #map1}, {transform_indices = #map1}, {transform_indices = #map2}]} {
    %mul3A = arith.constant 2 : i32
    %mul3A_0 = arith.muli %arg1, %mul3A : i32
    %add3A = arith.addi %mul3A_0, %arg0 : i32
    %mul3A_1 = arith.constant 632 : i32
    %mul3A_2 = arith.muli %arg1, %mul3A_1 : i32
    "tpu.region"() ({
      %run_scoped3A = tpu.sem_alloc : memref<!tpu.dma_semaphore, #tpu.memory_space<semaphore_mem>>
      %dma_start3A_30 = arith.constant 0 : i32
      %dma_start3A_31 = tpu.memref_slice %arg10[%mul3A_2, %dma_start3A_30] : memref<10112x128xf32, #tpu.memory_space<vmem_shared>> -> memref<632x128xf32, #tpu.memory_space<vmem_shared>>
      tpu.enqueue_dma source(%arg4 : memref<632x128xf32, #tpu.memory_space<hbm>>) target(%dma_start3A_31 : memref<632x128xf32, #tpu.memory_space<vmem_shared>>) target_semaphore(%run_scoped3A : memref<!tpu.dma_semaphore, #tpu.memory_space<semaphore_mem>>)
      %dma_wait3A = arith.constant 0 : i32
      %dma_wait3A_32 = tpu.memref_slice %arg10[%mul3A_2, %dma_wait3A] : memref<10112x128xf32, #tpu.memory_space<vmem_shared>> -> memref<632x128xf32, #tpu.memory_space<vmem_shared>>
      tpu.wait_dma2 semaphore(%run_scoped3A : memref<!tpu.dma_semaphore, #tpu.memory_space<semaphore_mem>>) src(%arg4 : memref<632x128xf32, #tpu.memory_space<hbm>>) dst(%dma_wait3A_32 : memref<632x128xf32, #tpu.memory_space<vmem_shared>>)
      tpu.yield
    }) : () -> ()
    %barrier3A = arith.constant 0 : index
    tpu.barrier barrier_id(%barrier3A)
    "tpu.region"() ({
      %run_scoped3A = tpu.sem_alloc : memref<!tpu.dma_semaphore, #tpu.memory_space<semaphore_mem>>
      %dma_start3A_30 = arith.constant 0 : i32
      %dma_start3A_31 = arith.constant 0 : i32
      %dma_start3A_32 = arith.constant 0 : i32
      %dma_start3A_33 = tpu.memref_slice %arg2[%add3A, %dma_start3A_30, %dma_start3A_31, %dma_start3A_32] : memref<32x80x2x128xi32, #tpu.memory_space<hbm>> -> memref<1x2x2x128xi32, #tpu.memory_space<hbm>>
      %dma_start3A_34 = tpu.memref_squeeze %dma_start3A_33 : memref<1x2x2x128xi32, #tpu.memory_space<hbm>> -> memref<2x2x128xi32, #tpu.memory_space<hbm>>
      %dma_start3A_35 = arith.constant 0 : i32
      %dma_start3A_36 = arith.constant 0 : i32
      %dma_start3A_37 = arith.constant 0 : i32
      %dma_start3A_38 = tpu.memref_slice %arg2[%add3A, %dma_start3A_35, %dma_start3A_36, %dma_start3A_37] : memref<32x80x2x128xi32, #tpu.memory_space<hbm>> -> memref<1x2x2x128xi32, #tpu.memory_space<hbm>>
      %dma_start3A_39 = tpu.memref_squeeze %dma_start3A_38 : memref<1x2x2x128xi32, #tpu.memory_space<hbm>> -> memref<2x2x128xi32, #tpu.memory_space<hbm>>
      tpu.enqueue_dma source(%dma_start3A_39 : memref<2x2x128xi32, #tpu.memory_space<hbm>>) target(%arg6 : memref<2x2x128xi32, #tpu.memory_space<vmem>>) target_semaphore(%run_scoped3A : memref<!tpu.dma_semaphore, #tpu.memory_space<semaphore_mem>>)
      %dma_wait3A = arith.constant 0 : i32
      %dma_wait3A_40 = arith.constant 0 : i32
      %dma_wait3A_41 = arith.constant 0 : i32
      %dma_wait3A_42 = tpu.memref_slice %arg2[%add3A, %dma_wait3A, %dma_wait3A_40, %dma_wait3A_41] : memref<32x80x2x128xi32, #tpu.memory_space<hbm>> -> memref<1x2x2x128xi32, #tpu.memory_space<hbm>>
      %dma_wait3A_43 = tpu.memref_squeeze %dma_wait3A_42 : memref<1x2x2x128xi32, #tpu.memory_space<hbm>> -> memref<2x2x128xi32, #tpu.memory_space<hbm>>
      %dma_wait3A_44 = arith.constant 0 : i32
      %dma_wait3A_45 = arith.constant 0 : i32
      %dma_wait3A_46 = arith.constant 0 : i32
      %dma_wait3A_47 = tpu.memref_slice %arg2[%add3A, %dma_wait3A_44, %dma_wait3A_45, %dma_wait3A_46] : memref<32x80x2x128xi32, #tpu.memory_space<hbm>> -> memref<1x2x2x128xi32, #tpu.memory_space<hbm>>
      %dma_wait3A_48 = tpu.memref_squeeze %dma_wait3A_47 : memref<1x2x2x128xi32, #tpu.memory_space<hbm>> -> memref<2x2x128xi32, #tpu.memory_space<hbm>>
      tpu.wait_dma2 semaphore(%run_scoped3A : memref<!tpu.dma_semaphore, #tpu.memory_space<semaphore_mem>>) src(%dma_wait3A_48 : memref<2x2x128xi32, #tpu.memory_space<hbm>>) dst(%arg6 : memref<2x2x128xi32, #tpu.memory_space<vmem>>)
      tpu.yield
    }) : () -> ()
    %dma_start3A = arith.constant 2 : i32
    %dma_start3A_3 = arith.constant 0 : i32
    %dma_start3A_4 = arith.constant 0 : i32
    %dma_start3A_5 = tpu.memref_slice %arg2[%add3A, %dma_start3A, %dma_start3A_3, %dma_start3A_4] : memref<32x80x2x128xi32, #tpu.memory_space<hbm>> -> memref<1x2x2x128xi32, #tpu.memory_space<hbm>>
    %dma_start3A_6 = tpu.memref_squeeze %dma_start3A_5 : memref<1x2x2x128xi32, #tpu.memory_space<hbm>> -> memref<2x2x128xi32, #tpu.memory_space<hbm>>
    %dma_start3A_7 = arith.constant 2 : i32
    %dma_start3A_8 = arith.constant 0 : i32
    %dma_start3A_9 = arith.constant 0 : i32
    %dma_start3A_10 = tpu.memref_slice %arg2[%add3A, %dma_start3A_7, %dma_start3A_8, %dma_start3A_9] : memref<32x80x2x128xi32, #tpu.memory_space<hbm>> -> memref<1x2x2x128xi32, #tpu.memory_space<hbm>>
    %dma_start3A_11 = tpu.memref_squeeze %dma_start3A_10 : memref<1x2x2x128xi32, #tpu.memory_space<hbm>> -> memref<2x2x128xi32, #tpu.memory_space<hbm>>
    tpu.enqueue_dma source(%dma_start3A_11 : memref<2x2x128xi32, #tpu.memory_space<hbm>>) target(%arg7 : memref<2x2x128xi32, #tpu.memory_space<vmem>>) target_semaphore(%arg12 : memref<!tpu.dma_semaphore, #tpu.memory_space<semaphore_mem>>)
    %dma_start3A_12 = arith.constant 0 : i32
    %dma_start3A_13 = arith.constant 0 : i32
    %dma_start3A_14 = arith.constant 0 : i32
    %dma_start3A_15 = tpu.memref_slice %arg6[%dma_start3A_12, %dma_start3A_13, %dma_start3A_14] : memref<2x2x128xi32, #tpu.memory_space<vmem>> -> memref<1x1x128xi32, #tpu.memory_space<vmem>>
    %dma_start3A_16 = tpu.memref_squeeze %dma_start3A_15 : memref<1x1x128xi32, #tpu.memory_space<vmem>> -> memref<128xi32, #tpu.memory_space<vmem>>
    %dma_start3A_17 = arith.constant 0 : i32
    %dma_start3A_18 = arith.constant 0 : i32
    %dma_start3A_19 = tpu.memref_slice %arg3[%dma_start3A_17, %dma_start3A_18] : memref<10000x128xf32, #tpu.memory_space<hbm>> -> memref<10000x128xf32, #tpu.memory_space<hbm>>
    tpu.enqueue_indirect_dma source(%dma_start3A_19 : memref<10000x128xf32, #tpu.memory_space<hbm>>) target(%arg8 : memref<128x128xf32, #tpu.memory_space<vmem>>) offsets(%dma_start3A_16 : memref<128xi32, #tpu.memory_space<vmem>>) semaphore(%arg13 : memref<!tpu.dma_semaphore, #tpu.memory_space<semaphore_mem>>)
    %scan3A = arith.constant 0 : i32
    %scan3A_20 = arith.constant 0 : i32
    %scan3A_21 = arith.constant 20 : i32
    %scan3A_22 = arith.addi %scan3A_20, %scan3A_21 : i32
    %scan3A_23 = arith.constant 1 : i32
    scf.for %scan3A_30 = %scan3A_20 to %scan3A_22 step %scan3A_23  : i32 {
      %mul3A_31 = arith.constant 4 : i32
      %mul3A_32 = arith.muli %mul3A_31, %scan3A_30 : i32
      %dma_start3A_33 = arith.constant 1 : i32
      %dma_start3A_34 = arith.constant 0 : i32
      %dma_start3A_35 = arith.constant 0 : i32
      %dma_start3A_36 = tpu.memref_slice %arg6[%dma_start3A_33, %dma_start3A_34, %dma_start3A_35] : memref<2x2x128xi32, #tpu.memory_space<vmem>> -> memref<1x1x128xi32, #tpu.memory_space<vmem>>
      %dma_start3A_37 = tpu.memref_squeeze %dma_start3A_36 : memref<1x1x128xi32, #tpu.memory_space<vmem>> -> memref<128xi32, #tpu.memory_space<vmem>>
      %dma_start3A_38 = arith.constant 0 : i32
      %dma_start3A_39 = arith.constant 0 : i32
      %dma_start3A_40 = tpu.memref_slice %arg3[%dma_start3A_38, %dma_start3A_39] : memref<10000x128xf32, #tpu.memory_space<hbm>> -> memref<10000x128xf32, #tpu.memory_space<hbm>>
      tpu.enqueue_indirect_dma source(%dma_start3A_40 : memref<10000x128xf32, #tpu.memory_space<hbm>>) target(%arg9 : memref<128x128xf32, #tpu.memory_space<vmem>>) offsets(%dma_start3A_37 : memref<128xi32, #tpu.memory_space<vmem>>) semaphore(%arg14 : memref<!tpu.dma_semaphore, #tpu.memory_space<semaphore_mem>>)
      %dma_wait3A = arith.constant 0 : i32
      %dma_wait3A_41 = arith.constant 0 : i32
      %dma_wait3A_42 = arith.constant 0 : i32
      %dma_wait3A_43 = tpu.memref_slice %arg6[%dma_wait3A, %dma_wait3A_41, %dma_wait3A_42] : memref<2x2x128xi32, #tpu.memory_space<vmem>> -> memref<1x1x128xi32, #tpu.memory_space<vmem>>
      %dma_wait3A_44 = tpu.memref_squeeze %dma_wait3A_43 : memref<1x1x128xi32, #tpu.memory_space<vmem>> -> memref<128xi32, #tpu.memory_space<vmem>>
      %dma_wait3A_45 = arith.constant 0 : i32
      %dma_wait3A_46 = arith.constant 0 : i32
      %dma_wait3A_47 = tpu.memref_slice %arg3[%dma_wait3A_45, %dma_wait3A_46] : memref<10000x128xf32, #tpu.memory_space<hbm>> -> memref<10000x128xf32, #tpu.memory_space<hbm>>
      tpu.wait_indirect_dma semaphore(%arg13 : memref<!tpu.dma_semaphore, #tpu.memory_space<semaphore_mem>>) src(%dma_wait3A_47 : memref<10000x128xf32, #tpu.memory_space<hbm>>) dst(%arg8 : memref<128x128xf32, #tpu.memory_space<vmem>>)
      %run_scoped3A = arith.constant 0 : i32
      %run_scoped3A_48 = arith.constant 1 : i32
      "tpu.region"() ({
        %run_scoped3A_117 = tpu.sem_alloc : memref<!tpu.dma_semaphore, #tpu.memory_space<semaphore_mem>>
        %dma_start3A_118 = arith.constant 0 : i32
        %dma_start3A_119 = tpu.memref_slice %arg6[%run_scoped3A, %run_scoped3A_48, %dma_start3A_118] : memref<2x2x128xi32, #tpu.memory_space<vmem>> -> memref<1x1x128xi32, #tpu.memory_space<vmem>>
        %dma_start3A_120 = tpu.memref_squeeze %dma_start3A_119 : memref<1x1x128xi32, #tpu.memory_space<vmem>> -> memref<128xi32, #tpu.memory_space<vmem>>
        %dma_start3A_121 = arith.constant 0 : i32
        %dma_start3A_122 = arith.constant 0 : i32
        %dma_start3A_123 = tpu.memref_slice %arg10[%dma_start3A_121, %dma_start3A_122] : memref<10112x128xf32, #tpu.memory_space<vmem_shared>> -> memref<10112x128xf32, #tpu.memory_space<vmem_shared>>
        tpu.enqueue_indirect_dma source(%arg8 : memref<128x128xf32, #tpu.memory_space<vmem>>) target(%dma_start3A_123 : memref<10112x128xf32, #tpu.memory_space<vmem_shared>>) offsets(%dma_start3A_120 : memref<128xi32, #tpu.memory_space<vmem>>) semaphore(%run_scoped3A_117 : memref<!tpu.dma_semaphore, #tpu.memory_space<semaphore_mem>>) {add = true}
        %dma_wait3A_124 = arith.constant 0 : i32
        %dma_wait3A_125 = tpu.memref_slice %arg6[%run_scoped3A, %run_scoped3A_48, %dma_wait3A_124] : memref<2x2x128xi32, #tpu.memory_space<vmem>> -> memref<1x1x128xi32, #tpu.memory_space<vmem>>
        %dma_wait3A_126 = tpu.memref_squeeze %dma_wait3A_125 : memref<1x1x128xi32, #tpu.memory_space<vmem>> -> memref<128xi32, #tpu.memory_space<vmem>>
        %dma_wait3A_127 = arith.constant 0 : i32
        %dma_wait3A_128 = arith.constant 0 : i32
        %dma_wait3A_129 = tpu.memref_slice %arg10[%dma_wait3A_127, %dma_wait3A_128] : memref<10112x128xf32, #tpu.memory_space<vmem_shared>> -> memref<10112x128xf32, #tpu.memory_space<vmem_shared>>
        tpu.wait_indirect_dma semaphore(%run_scoped3A_117 : memref<!tpu.dma_semaphore, #tpu.memory_space<semaphore_mem>>) src(%arg8 : memref<128x128xf32, #tpu.memory_space<vmem>>) dst(%dma_wait3A_129 : memref<10112x128xf32, #tpu.memory_space<vmem_shared>>)
        tpu.yield
      }) : () -> ()
      %dma_wait3A_49 = arith.constant 0 : i32
      %dma_wait3A_50 = arith.constant 0 : i32
      %dma_wait3A_51 = arith.constant 0 : i32
      %dma_wait3A_52 = tpu.memref_slice %arg2[%add3A, %dma_wait3A_49, %dma_wait3A_50, %dma_wait3A_51] : memref<32x80x2x128xi32, #tpu.memory_space<hbm>> -> memref<1x2x2x128xi32, #tpu.memory_space<hbm>>
      %dma_wait3A_53 = tpu.memref_squeeze %dma_wait3A_52 : memref<1x2x2x128xi32, #tpu.memory_space<hbm>> -> memref<2x2x128xi32, #tpu.memory_space<hbm>>
      %dma_wait3A_54 = arith.constant 0 : i32
      %dma_wait3A_55 = arith.constant 0 : i32
      %dma_wait3A_56 = arith.constant 0 : i32
      %dma_wait3A_57 = tpu.memref_slice %arg2[%add3A, %dma_wait3A_54, %dma_wait3A_55, %dma_wait3A_56] : memref<32x80x2x128xi32, #tpu.memory_space<hbm>> -> memref<1x2x2x128xi32, #tpu.memory_space<hbm>>
      %dma_wait3A_58 = tpu.memref_squeeze %dma_wait3A_57 : memref<1x2x2x128xi32, #tpu.memory_space<hbm>> -> memref<2x2x128xi32, #tpu.memory_space<hbm>>
      tpu.wait_dma2 semaphore(%arg12 : memref<!tpu.dma_semaphore, #tpu.memory_space<semaphore_mem>>) src(%dma_wait3A_58 : memref<2x2x128xi32, #tpu.memory_space<hbm>>) dst(%arg7 : memref<2x2x128xi32, #tpu.memory_space<vmem>>)
      %dma_start3A_59 = arith.constant 0 : i32
      %dma_start3A_60 = arith.constant 0 : i32
      %dma_start3A_61 = arith.constant 0 : i32
      %dma_start3A_62 = tpu.memref_slice %arg7[%dma_start3A_59, %dma_start3A_60, %dma_start3A_61] : memref<2x2x128xi32, #tpu.memory_space<vmem>> -> memref<1x1x128xi32, #tpu.memory_space<vmem>>
      %dma_start3A_63 = tpu.memref_squeeze %dma_start3A_62 : memref<1x1x128xi32, #tpu.memory_space<vmem>> -> memref<128xi32, #tpu.memory_space<vmem>>
      %dma_start3A_64 = arith.constant 0 : i32
      %dma_start3A_65 = arith.constant 0 : i32
      %dma_start3A_66 = tpu.memref_slice %arg3[%dma_start3A_64, %dma_start3A_65] : memref<10000x128xf32, #tpu.memory_space<hbm>> -> memref<10000x128xf32, #tpu.memory_space<hbm>>
      tpu.enqueue_indirect_dma source(%dma_start3A_66 : memref<10000x128xf32, #tpu.memory_space<hbm>>) target(%arg8 : memref<128x128xf32, #tpu.memory_space<vmem>>) offsets(%dma_start3A_63 : memref<128xi32, #tpu.memory_space<vmem>>) semaphore(%arg13 : memref<!tpu.dma_semaphore, #tpu.memory_space<semaphore_mem>>)
      %dma_wait3A_67 = arith.constant 1 : i32
      %dma_wait3A_68 = arith.constant 0 : i32
      %dma_wait3A_69 = arith.constant 0 : i32
      %dma_wait3A_70 = tpu.memref_slice %arg6[%dma_wait3A_67, %dma_wait3A_68, %dma_wait3A_69] : memref<2x2x128xi32, #tpu.memory_space<vmem>> -> memref<1x1x128xi32, #tpu.memory_space<vmem>>
      %dma_wait3A_71 = tpu.memref_squeeze %dma_wait3A_70 : memref<1x1x128xi32, #tpu.memory_space<vmem>> -> memref<128xi32, #tpu.memory_space<vmem>>
      %dma_wait3A_72 = arith.constant 0 : i32
      %dma_wait3A_73 = arith.constant 0 : i32
      %dma_wait3A_74 = tpu.memref_slice %arg3[%dma_wait3A_72, %dma_wait3A_73] : memref<10000x128xf32, #tpu.memory_space<hbm>> -> memref<10000x128xf32, #tpu.memory_space<hbm>>
      tpu.wait_indirect_dma semaphore(%arg14 : memref<!tpu.dma_semaphore, #tpu.memory_space<semaphore_mem>>) src(%dma_wait3A_74 : memref<10000x128xf32, #tpu.memory_space<hbm>>) dst(%arg9 : memref<128x128xf32, #tpu.memory_space<vmem>>)
      %run_scoped3A_75 = arith.constant 1 : i32
      %run_scoped3A_76 = arith.constant 1 : i32
      "tpu.region"() ({
        %run_scoped3A_117 = tpu.sem_alloc : memref<!tpu.dma_semaphore, #tpu.memory_space<semaphore_mem>>
        %dma_start3A_118 = arith.constant 0 : i32
        %dma_start3A_119 = tpu.memref_slice %arg6[%run_scoped3A_75, %run_scoped3A_76, %dma_start3A_118] : memref<2x2x128xi32, #tpu.memory_space<vmem>> -> memref<1x1x128xi32, #tpu.memory_space<vmem>>
        %dma_start3A_120 = tpu.memref_squeeze %dma_start3A_119 : memref<1x1x128xi32, #tpu.memory_space<vmem>> -> memref<128xi32, #tpu.memory_space<vmem>>
        %dma_start3A_121 = arith.constant 0 : i32
        %dma_start3A_122 = arith.constant 0 : i32
        %dma_start3A_123 = tpu.memref_slice %arg10[%dma_start3A_121, %dma_start3A_122] : memref<10112x128xf32, #tpu.memory_space<vmem_shared>> -> memref<10112x128xf32, #tpu.memory_space<vmem_shared>>
        tpu.enqueue_indirect_dma source(%arg9 : memref<128x128xf32, #tpu.memory_space<vmem>>) target(%dma_start3A_123 : memref<10112x128xf32, #tpu.memory_space<vmem_shared>>) offsets(%dma_start3A_120 : memref<128xi32, #tpu.memory_space<vmem>>) semaphore(%run_scoped3A_117 : memref<!tpu.dma_semaphore, #tpu.memory_space<semaphore_mem>>) {add = true}
        %dma_wait3A_124 = arith.constant 0 : i32
        %dma_wait3A_125 = tpu.memref_slice %arg6[%run_scoped3A_75, %run_scoped3A_76, %dma_wait3A_124] : memref<2x2x128xi32, #tpu.memory_space<vmem>> -> memref<1x1x128xi32, #tpu.memory_space<vmem>>
        %dma_wait3A_126 = tpu.memref_squeeze %dma_wait3A_125 : memref<1x1x128xi32, #tpu.memory_space<vmem>> -> memref<128xi32, #tpu.memory_space<vmem>>
        %dma_wait3A_127 = arith.constant 0 : i32
        %dma_wait3A_128 = arith.constant 0 : i32
        %dma_wait3A_129 = tpu.memref_slice %arg10[%dma_wait3A_127, %dma_wait3A_128] : memref<10112x128xf32, #tpu.memory_space<vmem_shared>> -> memref<10112x128xf32, #tpu.memory_space<vmem_shared>>
        tpu.wait_indirect_dma semaphore(%run_scoped3A_117 : memref<!tpu.dma_semaphore, #tpu.memory_space<semaphore_mem>>) src(%arg9 : memref<128x128xf32, #tpu.memory_space<vmem>>) dst(%dma_wait3A_129 : memref<10112x128xf32, #tpu.memory_space<vmem_shared>>)
        tpu.yield
      }) : () -> ()
      %lt3A = arith.constant 19 : i32
      %lt3A_77 = arith.cmpi slt, %scan3A_30, %lt3A : i32
      %convert_element_type3A = arith.extui %lt3A_77 : i1 to i32
      %cond3A = arith.constant 0 : i32
      %cond3A_78 = arith.cmpi ne, %convert_element_type3A, %cond3A : i32
      scf.if %cond3A_78 {
        %add3A_117 = arith.constant 4 : i32
        %add3A_118 = arith.addi %mul3A_32, %add3A_117 : i32
        %dma_start3A_119 = arith.constant 0 : i32
        %dma_start3A_120 = arith.constant 0 : i32
        %dma_start3A_121 = tpu.memref_slice %arg2[%add3A, %add3A_118, %dma_start3A_119, %dma_start3A_120] : memref<32x80x2x128xi32, #tpu.memory_space<hbm>> -> memref<1x2x2x128xi32, #tpu.memory_space<hbm>>
        %dma_start3A_122 = tpu.memref_squeeze %dma_start3A_121 : memref<1x2x2x128xi32, #tpu.memory_space<hbm>> -> memref<2x2x128xi32, #tpu.memory_space<hbm>>
        %dma_start3A_123 = arith.constant 0 : i32
        %dma_start3A_124 = arith.constant 0 : i32
        %dma_start3A_125 = tpu.memref_slice %arg2[%add3A, %add3A_118, %dma_start3A_123, %dma_start3A_124] : memref<32x80x2x128xi32, #tpu.memory_space<hbm>> -> memref<1x2x2x128xi32, #tpu.memory_space<hbm>>
        %dma_start3A_126 = tpu.memref_squeeze %dma_start3A_125 : memref<1x2x2x128xi32, #tpu.memory_space<hbm>> -> memref<2x2x128xi32, #tpu.memory_space<hbm>>
        tpu.enqueue_dma source(%dma_start3A_126 : memref<2x2x128xi32, #tpu.memory_space<hbm>>) target(%arg6 : memref<2x2x128xi32, #tpu.memory_space<vmem>>) target_semaphore(%arg11 : memref<!tpu.dma_semaphore, #tpu.memory_space<semaphore_mem>>)
      } else {
      }
      %dma_start3A_79 = arith.constant 1 : i32
      %dma_start3A_80 = arith.constant 0 : i32
      %dma_start3A_81 = arith.constant 0 : i32
      %dma_start3A_82 = tpu.memref_slice %arg7[%dma_start3A_79, %dma_start3A_80, %dma_start3A_81] : memref<2x2x128xi32, #tpu.memory_space<vmem>> -> memref<1x1x128xi32, #tpu.memory_space<vmem>>
      %dma_start3A_83 = tpu.memref_squeeze %dma_start3A_82 : memref<1x1x128xi32, #tpu.memory_space<vmem>> -> memref<128xi32, #tpu.memory_space<vmem>>
      %dma_start3A_84 = arith.constant 0 : i32
      %dma_start3A_85 = arith.constant 0 : i32
      %dma_start3A_86 = tpu.memref_slice %arg3[%dma_start3A_84, %dma_start3A_85] : memref<10000x128xf32, #tpu.memory_space<hbm>> -> memref<10000x128xf32, #tpu.memory_space<hbm>>
      tpu.enqueue_indirect_dma source(%dma_start3A_86 : memref<10000x128xf32, #tpu.memory_space<hbm>>) target(%arg9 : memref<128x128xf32, #tpu.memory_space<vmem>>) offsets(%dma_start3A_83 : memref<128xi32, #tpu.memory_space<vmem>>) semaphore(%arg14 : memref<!tpu.dma_semaphore, #tpu.memory_space<semaphore_mem>>)
      %dma_wait3A_87 = arith.constant 0 : i32
      %dma_wait3A_88 = arith.constant 0 : i32
      %dma_wait3A_89 = arith.constant 0 : i32
      %dma_wait3A_90 = tpu.memref_slice %arg7[%dma_wait3A_87, %dma_wait3A_88, %dma_wait3A_89] : memref<2x2x128xi32, #tpu.memory_space<vmem>> -> memref<1x1x128xi32, #tpu.memory_space<vmem>>
      %dma_wait3A_91 = tpu.memref_squeeze %dma_wait3A_90 : memref<1x1x128xi32, #tpu.memory_space<vmem>> -> memref<128xi32, #tpu.memory_space<vmem>>
      %dma_wait3A_92 = arith.constant 0 : i32
      %dma_wait3A_93 = arith.constant 0 : i32
      %dma_wait3A_94 = tpu.memref_slice %arg3[%dma_wait3A_92, %dma_wait3A_93] : memref<10000x128xf32, #tpu.memory_space<hbm>> -> memref<10000x128xf32, #tpu.memory_space<hbm>>
      tpu.wait_indirect_dma semaphore(%arg13 : memref<!tpu.dma_semaphore, #tpu.memory_space<semaphore_mem>>) src(%dma_wait3A_94 : memref<10000x128xf32, #tpu.memory_space<hbm>>) dst(%arg8 : memref<128x128xf32, #tpu.memory_space<vmem>>)
      %run_scoped3A_95 = arith.constant 0 : i32
      %run_scoped3A_96 = arith.constant 1 : i32
      "tpu.region"() ({
        %run_scoped3A_117 = tpu.sem_alloc : memref<!tpu.dma_semaphore, #tpu.memory_space<semaphore_mem>>
        %dma_start3A_118 = arith.constant 0 : i32
        %dma_start3A_119 = tpu.memref_slice %arg7[%run_scoped3A_95, %run_scoped3A_96, %dma_start3A_118] : memref<2x2x128xi32, #tpu.memory_space<vmem>> -> memref<1x1x128xi32, #tpu.memory_space<vmem>>
        %dma_start3A_120 = tpu.memref_squeeze %dma_start3A_119 : memref<1x1x128xi32, #tpu.memory_space<vmem>> -> memref<128xi32, #tpu.memory_space<vmem>>
        %dma_start3A_121 = arith.constant 0 : i32
        %dma_start3A_122 = arith.constant 0 : i32
        %dma_start3A_123 = tpu.memref_slice %arg10[%dma_start3A_121, %dma_start3A_122] : memref<10112x128xf32, #tpu.memory_space<vmem_shared>> -> memref<10112x128xf32, #tpu.memory_space<vmem_shared>>
        tpu.enqueue_indirect_dma source(%arg8 : memref<128x128xf32, #tpu.memory_space<vmem>>) target(%dma_start3A_123 : memref<10112x128xf32, #tpu.memory_space<vmem_shared>>) offsets(%dma_start3A_120 : memref<128xi32, #tpu.memory_space<vmem>>) semaphore(%run_scoped3A_117 : memref<!tpu.dma_semaphore, #tpu.memory_space<semaphore_mem>>) {add = true}
        %dma_wait3A_124 = arith.constant 0 : i32
        %dma_wait3A_125 = tpu.memref_slice %arg7[%run_scoped3A_95, %run_scoped3A_96, %dma_wait3A_124] : memref<2x2x128xi32, #tpu.memory_space<vmem>> -> memref<1x1x128xi32, #tpu.memory_space<vmem>>
        %dma_wait3A_126 = tpu.memref_squeeze %dma_wait3A_125 : memref<1x1x128xi32, #tpu.memory_space<vmem>> -> memref<128xi32, #tpu.memory_space<vmem>>
        %dma_wait3A_127 = arith.constant 0 : i32
        %dma_wait3A_128 = arith.constant 0 : i32
        %dma_wait3A_129 = tpu.memref_slice %arg10[%dma_wait3A_127, %dma_wait3A_128] : memref<10112x128xf32, #tpu.memory_space<vmem_shared>> -> memref<10112x128xf32, #tpu.memory_space<vmem_shared>>
        tpu.wait_indirect_dma semaphore(%run_scoped3A_117 : memref<!tpu.dma_semaphore, #tpu.memory_space<semaphore_mem>>) src(%arg8 : memref<128x128xf32, #tpu.memory_space<vmem>>) dst(%dma_wait3A_129 : memref<10112x128xf32, #tpu.memory_space<vmem_shared>>)
        tpu.yield
      }) : () -> ()
      %lt3A_97 = arith.constant 19 : i32
      %lt3A_98 = arith.cmpi slt, %scan3A_30, %lt3A_97 : i32
      %convert_element_type3A_99 = arith.extui %lt3A_98 : i1 to i32
      %cond3A_100 = arith.constant 0 : i32
      %cond3A_101 = arith.cmpi ne, %convert_element_type3A_99, %cond3A_100 : i32
      scf.if %cond3A_101 {
        %dma_wait3A_117 = arith.constant 0 : i32
        %dma_wait3A_118 = arith.constant 0 : i32
        %dma_wait3A_119 = arith.constant 0 : i32
        %dma_wait3A_120 = tpu.memref_slice %arg2[%add3A, %dma_wait3A_117, %dma_wait3A_118, %dma_wait3A_119] : memref<32x80x2x128xi32, #tpu.memory_space<hbm>> -> memref<1x2x2x128xi32, #tpu.memory_space<hbm>>
        %dma_wait3A_121 = tpu.memref_squeeze %dma_wait3A_120 : memref<1x2x2x128xi32, #tpu.memory_space<hbm>> -> memref<2x2x128xi32, #tpu.memory_space<hbm>>
        %dma_wait3A_122 = arith.constant 0 : i32
        %dma_wait3A_123 = arith.constant 0 : i32
        %dma_wait3A_124 = arith.constant 0 : i32
        %dma_wait3A_125 = tpu.memref_slice %arg2[%add3A, %dma_wait3A_122, %dma_wait3A_123, %dma_wait3A_124] : memref<32x80x2x128xi32, #tpu.memory_space<hbm>> -> memref<1x2x2x128xi32, #tpu.memory_space<hbm>>
        %dma_wait3A_126 = tpu.memref_squeeze %dma_wait3A_125 : memref<1x2x2x128xi32, #tpu.memory_space<hbm>> -> memref<2x2x128xi32, #tpu.memory_space<hbm>>
        tpu.wait_dma2 semaphore(%arg11 : memref<!tpu.dma_semaphore, #tpu.memory_space<semaphore_mem>>) src(%dma_wait3A_126 : memref<2x2x128xi32, #tpu.memory_space<hbm>>) dst(%arg6 : memref<2x2x128xi32, #tpu.memory_space<vmem>>)
        %dma_start3A_127 = arith.constant 0 : i32
        %dma_start3A_128 = arith.constant 0 : i32
        %dma_start3A_129 = arith.constant 0 : i32
        %dma_start3A_130 = tpu.memref_slice %arg6[%dma_start3A_127, %dma_start3A_128, %dma_start3A_129] : memref<2x2x128xi32, #tpu.memory_space<vmem>> -> memref<1x1x128xi32, #tpu.memory_space<vmem>>
        %dma_start3A_131 = tpu.memref_squeeze %dma_start3A_130 : memref<1x1x128xi32, #tpu.memory_space<vmem>> -> memref<128xi32, #tpu.memory_space<vmem>>
        %dma_start3A_132 = arith.constant 0 : i32
        %dma_start3A_133 = arith.constant 0 : i32
        %dma_start3A_134 = tpu.memref_slice %arg3[%dma_start3A_132, %dma_start3A_133] : memref<10000x128xf32, #tpu.memory_space<hbm>> -> memref<10000x128xf32, #tpu.memory_space<hbm>>
        tpu.enqueue_indirect_dma source(%dma_start3A_134 : memref<10000x128xf32, #tpu.memory_space<hbm>>) target(%arg8 : memref<128x128xf32, #tpu.memory_space<vmem>>) offsets(%dma_start3A_131 : memref<128xi32, #tpu.memory_space<vmem>>) semaphore(%arg13 : memref<!tpu.dma_semaphore, #tpu.memory_space<semaphore_mem>>)
      } else {
      }
      %dma_wait3A_102 = arith.constant 1 : i32
      %dma_wait3A_103 = arith.constant 0 : i32
      %dma_wait3A_104 = arith.constant 0 : i32
      %dma_wait3A_105 = tpu.memref_slice %arg7[%dma_wait3A_102, %dma_wait3A_103, %dma_wait3A_104] : memref<2x2x128xi32, #tpu.memory_space<vmem>> -> memref<1x1x128xi32, #tpu.memory_space<vmem>>
      %dma_wait3A_106 = tpu.memref_squeeze %dma_wait3A_105 : memref<1x1x128xi32, #tpu.memory_space<vmem>> -> memref<128xi32, #tpu.memory_space<vmem>>
      %dma_wait3A_107 = arith.constant 0 : i32
      %dma_wait3A_108 = arith.constant 0 : i32
      %dma_wait3A_109 = tpu.memref_slice %arg3[%dma_wait3A_107, %dma_wait3A_108] : memref<10000x128xf32, #tpu.memory_space<hbm>> -> memref<10000x128xf32, #tpu.memory_space<hbm>>
      tpu.wait_indirect_dma semaphore(%arg14 : memref<!tpu.dma_semaphore, #tpu.memory_space<semaphore_mem>>) src(%dma_wait3A_109 : memref<10000x128xf32, #tpu.memory_space<hbm>>) dst(%arg9 : memref<128x128xf32, #tpu.memory_space<vmem>>)
      %run_scoped3A_110 = arith.constant 1 : i32
      %run_scoped3A_111 = arith.constant 1 : i32
      "tpu.region"() ({
        %run_scoped3A_117 = tpu.sem_alloc : memref<!tpu.dma_semaphore, #tpu.memory_space<semaphore_mem>>
        %dma_start3A_118 = arith.constant 0 : i32
        %dma_start3A_119 = tpu.memref_slice %arg7[%run_scoped3A_110, %run_scoped3A_111, %dma_start3A_118] : memref<2x2x128xi32, #tpu.memory_space<vmem>> -> memref<1x1x128xi32, #tpu.memory_space<vmem>>
        %dma_start3A_120 = tpu.memref_squeeze %dma_start3A_119 : memref<1x1x128xi32, #tpu.memory_space<vmem>> -> memref<128xi32, #tpu.memory_space<vmem>>
        %dma_start3A_121 = arith.constant 0 : i32
        %dma_start3A_122 = arith.constant 0 : i32
        %dma_start3A_123 = tpu.memref_slice %arg10[%dma_start3A_121, %dma_start3A_122] : memref<10112x128xf32, #tpu.memory_space<vmem_shared>> -> memref<10112x128xf32, #tpu.memory_space<vmem_shared>>
        tpu.enqueue_indirect_dma source(%arg9 : memref<128x128xf32, #tpu.memory_space<vmem>>) target(%dma_start3A_123 : memref<10112x128xf32, #tpu.memory_space<vmem_shared>>) offsets(%dma_start3A_120 : memref<128xi32, #tpu.memory_space<vmem>>) semaphore(%run_scoped3A_117 : memref<!tpu.dma_semaphore, #tpu.memory_space<semaphore_mem>>) {add = true}
        %dma_wait3A_124 = arith.constant 0 : i32
        %dma_wait3A_125 = tpu.memref_slice %arg7[%run_scoped3A_110, %run_scoped3A_111, %dma_wait3A_124] : memref<2x2x128xi32, #tpu.memory_space<vmem>> -> memref<1x1x128xi32, #tpu.memory_space<vmem>>
        %dma_wait3A_126 = tpu.memref_squeeze %dma_wait3A_125 : memref<1x1x128xi32, #tpu.memory_space<vmem>> -> memref<128xi32, #tpu.memory_space<vmem>>
        %dma_wait3A_127 = arith.constant 0 : i32
        %dma_wait3A_128 = arith.constant 0 : i32
        %dma_wait3A_129 = tpu.memref_slice %arg10[%dma_wait3A_127, %dma_wait3A_128] : memref<10112x128xf32, #tpu.memory_space<vmem_shared>> -> memref<10112x128xf32, #tpu.memory_space<vmem_shared>>
        tpu.wait_indirect_dma semaphore(%run_scoped3A_117 : memref<!tpu.dma_semaphore, #tpu.memory_space<semaphore_mem>>) src(%arg9 : memref<128x128xf32, #tpu.memory_space<vmem>>) dst(%dma_wait3A_129 : memref<10112x128xf32, #tpu.memory_space<vmem_shared>>)
        tpu.yield
      }) : () -> ()
      %lt3A_112 = arith.constant 19 : i32
      %lt3A_113 = arith.cmpi slt, %scan3A_30, %lt3A_112 : i32
      %convert_element_type3A_114 = arith.extui %lt3A_113 : i1 to i32
      %cond3A_115 = arith.constant 0 : i32
      %cond3A_116 = arith.cmpi ne, %convert_element_type3A_114, %cond3A_115 : i32
      scf.if %cond3A_116 {
        %add3A_117 = arith.constant 6 : i32
        %add3A_118 = arith.addi %mul3A_32, %add3A_117 : i32
        %dma_start3A_119 = arith.constant 0 : i32
        %dma_start3A_120 = arith.constant 0 : i32
        %dma_start3A_121 = tpu.memref_slice %arg2[%add3A, %add3A_118, %dma_start3A_119, %dma_start3A_120] : memref<32x80x2x128xi32, #tpu.memory_space<hbm>> -> memref<1x2x2x128xi32, #tpu.memory_space<hbm>>
        %dma_start3A_122 = tpu.memref_squeeze %dma_start3A_121 : memref<1x2x2x128xi32, #tpu.memory_space<hbm>> -> memref<2x2x128xi32, #tpu.memory_space<hbm>>
        %dma_start3A_123 = arith.constant 0 : i32
        %dma_start3A_124 = arith.constant 0 : i32
        %dma_start3A_125 = tpu.memref_slice %arg2[%add3A, %add3A_118, %dma_start3A_123, %dma_start3A_124] : memref<32x80x2x128xi32, #tpu.memory_space<hbm>> -> memref<1x2x2x128xi32, #tpu.memory_space<hbm>>
        %dma_start3A_126 = tpu.memref_squeeze %dma_start3A_125 : memref<1x2x2x128xi32, #tpu.memory_space<hbm>> -> memref<2x2x128xi32, #tpu.memory_space<hbm>>
        tpu.enqueue_dma source(%dma_start3A_126 : memref<2x2x128xi32, #tpu.memory_space<hbm>>) target(%arg7 : memref<2x2x128xi32, #tpu.memory_space<vmem>>) target_semaphore(%arg12 : memref<!tpu.dma_semaphore, #tpu.memory_space<semaphore_mem>>)
      } else {
      }
    }
    %scan3A_24 = arith.constant 20 : i32
    %barrier3A_25 = arith.constant 0 : index
    tpu.barrier barrier_id(%barrier3A_25)
    %mul3A_26 = arith.constant 632 : i32
    %mul3A_27 = arith.muli %arg1, %mul3A_26 : i32
    %mul3A_28 = arith.constant 632 : i32
    %mul3A_29 = arith.muli %arg1, %mul3A_28 : i32
    "tpu.region"() ({
      %run_scoped3A = tpu.sem_alloc : memref<!tpu.dma_semaphore, #tpu.memory_space<semaphore_mem>>
      %dma_start3A_30 = arith.constant 0 : i32
      %dma_start3A_31 = tpu.memref_slice %arg5[%arg0, %mul3A_29, %dma_start3A_30] : memref<2x10112x128xf32, #tpu.memory_space<hbm>> -> memref<1x632x128xf32, #tpu.memory_space<hbm>>
      %dma_start3A_32 = tpu.memref_squeeze %dma_start3A_31 : memref<1x632x128xf32, #tpu.memory_space<hbm>> -> memref<632x128xf32, #tpu.memory_space<hbm>>
      %dma_start3A_33 = arith.constant 0 : i32
      %dma_start3A_34 = tpu.memref_slice %arg10[%mul3A_27, %dma_start3A_33] : memref<10112x128xf32, #tpu.memory_space<vmem_shared>> -> memref<632x128xf32, #tpu.memory_space<vmem_shared>>
      tpu.enqueue_dma source(%dma_start3A_34 : memref<632x128xf32, #tpu.memory_space<vmem_shared>>) target(%dma_start3A_32 : memref<632x128xf32, #tpu.memory_space<hbm>>) target_semaphore(%run_scoped3A : memref<!tpu.dma_semaphore, #tpu.memory_space<semaphore_mem>>)
      %dma_wait3A = arith.constant 0 : i32
      %dma_wait3A_35 = tpu.memref_slice %arg5[%arg0, %mul3A_29, %dma_wait3A] : memref<2x10112x128xf32, #tpu.memory_space<hbm>> -> memref<1x632x128xf32, #tpu.memory_space<hbm>>
      %dma_wait3A_36 = tpu.memref_squeeze %dma_wait3A_35 : memref<1x632x128xf32, #tpu.memory_space<hbm>> -> memref<632x128xf32, #tpu.memory_space<hbm>>
      %dma_wait3A_37 = arith.constant 0 : i32
      %dma_wait3A_38 = tpu.memref_slice %arg10[%mul3A_27, %dma_wait3A_37] : memref<10112x128xf32, #tpu.memory_space<vmem_shared>> -> memref<632x128xf32, #tpu.memory_space<vmem_shared>>
      tpu.wait_dma2 semaphore(%run_scoped3A : memref<!tpu.dma_semaphore, #tpu.memory_space<semaphore_mem>>) src(%dma_wait3A_38 : memref<632x128xf32, #tpu.memory_space<vmem_shared>>) dst(%dma_wait3A_36 : memref<632x128xf32, #tpu.memory_space<hbm>>)
      tpu.yield
    }) : () -> ()
    return
  }
}

#map = affine_map<(d0, d1) -> (0, 0, 0, 0)>
#map1 = affine_map<(d0, d1) -> (0, 0)>
#map2 = affine_map<(d0, d1) -> (0, 0, 0)>
module attributes {stable_mosaic.version = 14 : i64} {
  func.func @_deg_body(%arg0: i32, %arg1: i32, %arg2: memref<32x80x2x128xi32, #tpu.memory_space<hbm>>, %arg3: memref<632x128xf32, #tpu.memory_space<hbm>>, %arg4: memref<128x128xf32, #tpu.memory_space<hbm>>, %arg5: memref<2x10112x128xf32, #tpu.memory_space<hbm>>, %arg6: memref<2x128xi32, #tpu.memory_space<vmem>>, %arg7: memref<2x128xi32, #tpu.memory_space<vmem>>, %arg8: memref<128x128xf32, #tpu.memory_space<vmem>>, %arg9: memref<10112x128xf32, #tpu.memory_space<vmem_shared>>, %arg10: memref<!tpu.dma_semaphore, #tpu.memory_space<semaphore_mem>>, %arg11: memref<!tpu.dma_semaphore, #tpu.memory_space<semaphore_mem>>) attributes {dimension_semantics = [#tpu.dimension_semantics<core_parallel>, #tpu.dimension_semantics<subcore_parallel>], iteration_bounds = array<i64: 2, 16>, scalar_prefetch = 0 : i64, scratch_operands = 6 : i64, tpu.core_type = #tpu.core_type<sc_vector_subcore>, window_params = [{transform_indices = #map}, {transform_indices = #map1}, {transform_indices = #map1}, {transform_indices = #map2}]} {
    %mul3A = arith.constant 2 : i32
    %mul3A_0 = arith.muli %arg1, %mul3A : i32
    %add3A = arith.addi %mul3A_0, %arg0 : i32
    %mul3A_1 = arith.constant 632 : i32
    %mul3A_2 = arith.muli %arg1, %mul3A_1 : i32
    "tpu.region"() ({
      %run_scoped3A_21 = tpu.sem_alloc : memref<!tpu.dma_semaphore, #tpu.memory_space<semaphore_mem>>
      %dma_start3A_22 = arith.constant 0 : i32
      %dma_start3A_23 = tpu.memref_slice %arg9[%mul3A_2, %dma_start3A_22] : memref<10112x128xf32, #tpu.memory_space<vmem_shared>> -> memref<632x128xf32, #tpu.memory_space<vmem_shared>>
      tpu.enqueue_dma source(%arg3 : memref<632x128xf32, #tpu.memory_space<hbm>>) target(%dma_start3A_23 : memref<632x128xf32, #tpu.memory_space<vmem_shared>>) target_semaphore(%run_scoped3A_21 : memref<!tpu.dma_semaphore, #tpu.memory_space<semaphore_mem>>)
      %dma_wait3A = arith.constant 0 : i32
      %dma_wait3A_24 = tpu.memref_slice %arg9[%mul3A_2, %dma_wait3A] : memref<10112x128xf32, #tpu.memory_space<vmem_shared>> -> memref<632x128xf32, #tpu.memory_space<vmem_shared>>
      tpu.wait_dma2 semaphore(%run_scoped3A_21 : memref<!tpu.dma_semaphore, #tpu.memory_space<semaphore_mem>>) src(%arg3 : memref<632x128xf32, #tpu.memory_space<hbm>>) dst(%dma_wait3A_24 : memref<632x128xf32, #tpu.memory_space<vmem_shared>>)
      tpu.yield
    }) : () -> ()
    "tpu.region"() ({
      %run_scoped3A_21 = tpu.sem_alloc : memref<!tpu.dma_semaphore, #tpu.memory_space<semaphore_mem>>
      tpu.enqueue_dma source(%arg4 : memref<128x128xf32, #tpu.memory_space<hbm>>) target(%arg8 : memref<128x128xf32, #tpu.memory_space<vmem>>) target_semaphore(%run_scoped3A_21 : memref<!tpu.dma_semaphore, #tpu.memory_space<semaphore_mem>>)
      tpu.wait_dma2 semaphore(%run_scoped3A_21 : memref<!tpu.dma_semaphore, #tpu.memory_space<semaphore_mem>>) src(%arg4 : memref<128x128xf32, #tpu.memory_space<hbm>>) dst(%arg8 : memref<128x128xf32, #tpu.memory_space<vmem>>)
      tpu.yield
    }) : () -> ()
    %barrier3A = arith.constant 0 : index
    tpu.barrier barrier_id(%barrier3A)
    %run_scoped3A = arith.constant 0 : i32
    "tpu.region"() ({
      %run_scoped3A_21 = tpu.sem_alloc : memref<!tpu.dma_semaphore, #tpu.memory_space<semaphore_mem>>
      %dma_start3A_22 = arith.constant 0 : i32
      %dma_start3A_23 = arith.constant 0 : i32
      %dma_start3A_24 = tpu.memref_slice %arg2[%add3A, %run_scoped3A, %dma_start3A_22, %dma_start3A_23] : memref<32x80x2x128xi32, #tpu.memory_space<hbm>> -> memref<1x1x2x128xi32, #tpu.memory_space<hbm>>
      %dma_start3A_25 = tpu.memref_squeeze %dma_start3A_24 : memref<1x1x2x128xi32, #tpu.memory_space<hbm>> -> memref<2x128xi32, #tpu.memory_space<hbm>>
      %dma_start3A_26 = arith.constant 0 : i32
      %dma_start3A_27 = arith.constant 0 : i32
      %dma_start3A_28 = tpu.memref_slice %arg2[%add3A, %run_scoped3A, %dma_start3A_26, %dma_start3A_27] : memref<32x80x2x128xi32, #tpu.memory_space<hbm>> -> memref<1x1x2x128xi32, #tpu.memory_space<hbm>>
      %dma_start3A_29 = tpu.memref_squeeze %dma_start3A_28 : memref<1x1x2x128xi32, #tpu.memory_space<hbm>> -> memref<2x128xi32, #tpu.memory_space<hbm>>
      tpu.enqueue_dma source(%dma_start3A_29 : memref<2x128xi32, #tpu.memory_space<hbm>>) target(%arg6 : memref<2x128xi32, #tpu.memory_space<vmem>>) target_semaphore(%run_scoped3A_21 : memref<!tpu.dma_semaphore, #tpu.memory_space<semaphore_mem>>)
      %dma_wait3A = arith.constant 0 : i32
      %dma_wait3A_30 = arith.constant 0 : i32
      %dma_wait3A_31 = tpu.memref_slice %arg2[%add3A, %run_scoped3A, %dma_wait3A, %dma_wait3A_30] : memref<32x80x2x128xi32, #tpu.memory_space<hbm>> -> memref<1x1x2x128xi32, #tpu.memory_space<hbm>>
      %dma_wait3A_32 = tpu.memref_squeeze %dma_wait3A_31 : memref<1x1x2x128xi32, #tpu.memory_space<hbm>> -> memref<2x128xi32, #tpu.memory_space<hbm>>
      %dma_wait3A_33 = arith.constant 0 : i32
      %dma_wait3A_34 = arith.constant 0 : i32
      %dma_wait3A_35 = tpu.memref_slice %arg2[%add3A, %run_scoped3A, %dma_wait3A_33, %dma_wait3A_34] : memref<32x80x2x128xi32, #tpu.memory_space<hbm>> -> memref<1x1x2x128xi32, #tpu.memory_space<hbm>>
      %dma_wait3A_36 = tpu.memref_squeeze %dma_wait3A_35 : memref<1x1x2x128xi32, #tpu.memory_space<hbm>> -> memref<2x128xi32, #tpu.memory_space<hbm>>
      tpu.wait_dma2 semaphore(%run_scoped3A_21 : memref<!tpu.dma_semaphore, #tpu.memory_space<semaphore_mem>>) src(%dma_wait3A_36 : memref<2x128xi32, #tpu.memory_space<hbm>>) dst(%arg6 : memref<2x128xi32, #tpu.memory_space<vmem>>)
      tpu.yield
    }) : () -> ()
    %dma_start3A = arith.constant 1 : i32
    %dma_start3A_3 = arith.constant 0 : i32
    %dma_start3A_4 = arith.constant 0 : i32
    %dma_start3A_5 = tpu.memref_slice %arg2[%add3A, %dma_start3A, %dma_start3A_3, %dma_start3A_4] : memref<32x80x2x128xi32, #tpu.memory_space<hbm>> -> memref<1x1x2x128xi32, #tpu.memory_space<hbm>>
    %dma_start3A_6 = tpu.memref_squeeze %dma_start3A_5 : memref<1x1x2x128xi32, #tpu.memory_space<hbm>> -> memref<2x128xi32, #tpu.memory_space<hbm>>
    %dma_start3A_7 = arith.constant 0 : i32
    %dma_start3A_8 = arith.constant 0 : i32
    %dma_start3A_9 = tpu.memref_slice %arg2[%add3A, %dma_start3A, %dma_start3A_7, %dma_start3A_8] : memref<32x80x2x128xi32, #tpu.memory_space<hbm>> -> memref<1x1x2x128xi32, #tpu.memory_space<hbm>>
    %dma_start3A_10 = tpu.memref_squeeze %dma_start3A_9 : memref<1x1x2x128xi32, #tpu.memory_space<hbm>> -> memref<2x128xi32, #tpu.memory_space<hbm>>
    tpu.enqueue_dma source(%dma_start3A_10 : memref<2x128xi32, #tpu.memory_space<hbm>>) target(%arg7 : memref<2x128xi32, #tpu.memory_space<vmem>>) target_semaphore(%arg11 : memref<!tpu.dma_semaphore, #tpu.memory_space<semaphore_mem>>)
    %scan3A = arith.constant 0 : i32
    %scan3A_11 = arith.constant 0 : i32
    %scan3A_12 = arith.constant 40 : i32
    %scan3A_13 = arith.addi %scan3A_11, %scan3A_12 : i32
    %scan3A_14 = arith.constant 1 : i32
    scf.for %scan3A_21 = %scan3A_11 to %scan3A_13 step %scan3A_14  : i32 {
      %mul3A_22 = arith.constant 2 : i32
      %mul3A_23 = arith.muli %mul3A_22, %scan3A_21 : i32
      %run_scoped3A_24 = arith.constant 1 : i32
      "tpu.region"() ({
        %run_scoped3A_42 = tpu.sem_alloc : memref<!tpu.dma_semaphore, #tpu.memory_space<semaphore_mem>>
        %dma_start3A_43 = arith.constant 0 : i32
        %dma_start3A_44 = tpu.memref_slice %arg6[%run_scoped3A_24, %dma_start3A_43] : memref<2x128xi32, #tpu.memory_space<vmem>> -> memref<1x128xi32, #tpu.memory_space<vmem>>
        %dma_start3A_45 = tpu.memref_squeeze %dma_start3A_44 : memref<1x128xi32, #tpu.memory_space<vmem>> -> memref<128xi32, #tpu.memory_space<vmem>>
        %dma_start3A_46 = arith.constant 0 : i32
        %dma_start3A_47 = arith.constant 0 : i32
        %dma_start3A_48 = tpu.memref_slice %arg9[%dma_start3A_46, %dma_start3A_47] : memref<10112x128xf32, #tpu.memory_space<vmem_shared>> -> memref<10112x128xf32, #tpu.memory_space<vmem_shared>>
        tpu.enqueue_indirect_dma source(%arg8 : memref<128x128xf32, #tpu.memory_space<vmem>>) target(%dma_start3A_48 : memref<10112x128xf32, #tpu.memory_space<vmem_shared>>) offsets(%dma_start3A_45 : memref<128xi32, #tpu.memory_space<vmem>>) semaphore(%run_scoped3A_42 : memref<!tpu.dma_semaphore, #tpu.memory_space<semaphore_mem>>) {add = true}
        %dma_wait3A_49 = arith.constant 0 : i32
        %dma_wait3A_50 = tpu.memref_slice %arg6[%run_scoped3A_24, %dma_wait3A_49] : memref<2x128xi32, #tpu.memory_space<vmem>> -> memref<1x128xi32, #tpu.memory_space<vmem>>
        %dma_wait3A_51 = tpu.memref_squeeze %dma_wait3A_50 : memref<1x128xi32, #tpu.memory_space<vmem>> -> memref<128xi32, #tpu.memory_space<vmem>>
        %dma_wait3A_52 = arith.constant 0 : i32
        %dma_wait3A_53 = arith.constant 0 : i32
        %dma_wait3A_54 = tpu.memref_slice %arg9[%dma_wait3A_52, %dma_wait3A_53] : memref<10112x128xf32, #tpu.memory_space<vmem_shared>> -> memref<10112x128xf32, #tpu.memory_space<vmem_shared>>
        tpu.wait_indirect_dma semaphore(%run_scoped3A_42 : memref<!tpu.dma_semaphore, #tpu.memory_space<semaphore_mem>>) src(%arg8 : memref<128x128xf32, #tpu.memory_space<vmem>>) dst(%dma_wait3A_54 : memref<10112x128xf32, #tpu.memory_space<vmem_shared>>)
        tpu.yield
      }) : () -> ()
      %add3A_25 = arith.constant 1 : i32
      %add3A_26 = arith.addi %mul3A_23, %add3A_25 : i32
      %dma_wait3A = arith.constant 0 : i32
      %dma_wait3A_27 = arith.constant 0 : i32
      %dma_wait3A_28 = tpu.memref_slice %arg2[%add3A, %add3A_26, %dma_wait3A, %dma_wait3A_27] : memref<32x80x2x128xi32, #tpu.memory_space<hbm>> -> memref<1x1x2x128xi32, #tpu.memory_space<hbm>>
      %dma_wait3A_29 = tpu.memref_squeeze %dma_wait3A_28 : memref<1x1x2x128xi32, #tpu.memory_space<hbm>> -> memref<2x128xi32, #tpu.memory_space<hbm>>
      %dma_wait3A_30 = arith.constant 0 : i32
      %dma_wait3A_31 = arith.constant 0 : i32
      %dma_wait3A_32 = tpu.memref_slice %arg2[%add3A, %add3A_26, %dma_wait3A_30, %dma_wait3A_31] : memref<32x80x2x128xi32, #tpu.memory_space<hbm>> -> memref<1x1x2x128xi32, #tpu.memory_space<hbm>>
      %dma_wait3A_33 = tpu.memref_squeeze %dma_wait3A_32 : memref<1x1x2x128xi32, #tpu.memory_space<hbm>> -> memref<2x128xi32, #tpu.memory_space<hbm>>
      tpu.wait_dma2 semaphore(%arg11 : memref<!tpu.dma_semaphore, #tpu.memory_space<semaphore_mem>>) src(%dma_wait3A_33 : memref<2x128xi32, #tpu.memory_space<hbm>>) dst(%arg7 : memref<2x128xi32, #tpu.memory_space<vmem>>)
      %lt3A = arith.constant 39 : i32
      %lt3A_34 = arith.cmpi slt, %scan3A_21, %lt3A : i32
      %convert_element_type3A = arith.extui %lt3A_34 : i1 to i32
      %cond3A = arith.constant 0 : i32
      %cond3A_35 = arith.cmpi ne, %convert_element_type3A, %cond3A : i32
      scf.if %cond3A_35 {
        %add3A_42 = arith.constant 2 : i32
        %add3A_43 = arith.addi %mul3A_23, %add3A_42 : i32
        %dma_start3A_44 = arith.constant 0 : i32
        %dma_start3A_45 = arith.constant 0 : i32
        %dma_start3A_46 = tpu.memref_slice %arg2[%add3A, %add3A_43, %dma_start3A_44, %dma_start3A_45] : memref<32x80x2x128xi32, #tpu.memory_space<hbm>> -> memref<1x1x2x128xi32, #tpu.memory_space<hbm>>
        %dma_start3A_47 = tpu.memref_squeeze %dma_start3A_46 : memref<1x1x2x128xi32, #tpu.memory_space<hbm>> -> memref<2x128xi32, #tpu.memory_space<hbm>>
        %dma_start3A_48 = arith.constant 0 : i32
        %dma_start3A_49 = arith.constant 0 : i32
        %dma_start3A_50 = tpu.memref_slice %arg2[%add3A, %add3A_43, %dma_start3A_48, %dma_start3A_49] : memref<32x80x2x128xi32, #tpu.memory_space<hbm>> -> memref<1x1x2x128xi32, #tpu.memory_space<hbm>>
        %dma_start3A_51 = tpu.memref_squeeze %dma_start3A_50 : memref<1x1x2x128xi32, #tpu.memory_space<hbm>> -> memref<2x128xi32, #tpu.memory_space<hbm>>
        tpu.enqueue_dma source(%dma_start3A_51 : memref<2x128xi32, #tpu.memory_space<hbm>>) target(%arg6 : memref<2x128xi32, #tpu.memory_space<vmem>>) target_semaphore(%arg10 : memref<!tpu.dma_semaphore, #tpu.memory_space<semaphore_mem>>)
      } else {
      }
      %run_scoped3A_36 = arith.constant 1 : i32
      "tpu.region"() ({
        %run_scoped3A_42 = tpu.sem_alloc : memref<!tpu.dma_semaphore, #tpu.memory_space<semaphore_mem>>
        %dma_start3A_43 = arith.constant 0 : i32
        %dma_start3A_44 = tpu.memref_slice %arg7[%run_scoped3A_36, %dma_start3A_43] : memref<2x128xi32, #tpu.memory_space<vmem>> -> memref<1x128xi32, #tpu.memory_space<vmem>>
        %dma_start3A_45 = tpu.memref_squeeze %dma_start3A_44 : memref<1x128xi32, #tpu.memory_space<vmem>> -> memref<128xi32, #tpu.memory_space<vmem>>
        %dma_start3A_46 = arith.constant 0 : i32
        %dma_start3A_47 = arith.constant 0 : i32
        %dma_start3A_48 = tpu.memref_slice %arg9[%dma_start3A_46, %dma_start3A_47] : memref<10112x128xf32, #tpu.memory_space<vmem_shared>> -> memref<10112x128xf32, #tpu.memory_space<vmem_shared>>
        tpu.enqueue_indirect_dma source(%arg8 : memref<128x128xf32, #tpu.memory_space<vmem>>) target(%dma_start3A_48 : memref<10112x128xf32, #tpu.memory_space<vmem_shared>>) offsets(%dma_start3A_45 : memref<128xi32, #tpu.memory_space<vmem>>) semaphore(%run_scoped3A_42 : memref<!tpu.dma_semaphore, #tpu.memory_space<semaphore_mem>>) {add = true}
        %dma_wait3A_49 = arith.constant 0 : i32
        %dma_wait3A_50 = tpu.memref_slice %arg7[%run_scoped3A_36, %dma_wait3A_49] : memref<2x128xi32, #tpu.memory_space<vmem>> -> memref<1x128xi32, #tpu.memory_space<vmem>>
        %dma_wait3A_51 = tpu.memref_squeeze %dma_wait3A_50 : memref<1x128xi32, #tpu.memory_space<vmem>> -> memref<128xi32, #tpu.memory_space<vmem>>
        %dma_wait3A_52 = arith.constant 0 : i32
        %dma_wait3A_53 = arith.constant 0 : i32
        %dma_wait3A_54 = tpu.memref_slice %arg9[%dma_wait3A_52, %dma_wait3A_53] : memref<10112x128xf32, #tpu.memory_space<vmem_shared>> -> memref<10112x128xf32, #tpu.memory_space<vmem_shared>>
        tpu.wait_indirect_dma semaphore(%run_scoped3A_42 : memref<!tpu.dma_semaphore, #tpu.memory_space<semaphore_mem>>) src(%arg8 : memref<128x128xf32, #tpu.memory_space<vmem>>) dst(%dma_wait3A_54 : memref<10112x128xf32, #tpu.memory_space<vmem_shared>>)
        tpu.yield
      }) : () -> ()
      %lt3A_37 = arith.constant 39 : i32
      %lt3A_38 = arith.cmpi slt, %scan3A_21, %lt3A_37 : i32
      %convert_element_type3A_39 = arith.extui %lt3A_38 : i1 to i32
      %cond3A_40 = arith.constant 0 : i32
      %cond3A_41 = arith.cmpi ne, %convert_element_type3A_39, %cond3A_40 : i32
      scf.if %cond3A_41 {
        %add3A_42 = arith.constant 2 : i32
        %add3A_43 = arith.addi %mul3A_23, %add3A_42 : i32
        %dma_wait3A_44 = arith.constant 0 : i32
        %dma_wait3A_45 = arith.constant 0 : i32
        %dma_wait3A_46 = tpu.memref_slice %arg2[%add3A, %add3A_43, %dma_wait3A_44, %dma_wait3A_45] : memref<32x80x2x128xi32, #tpu.memory_space<hbm>> -> memref<1x1x2x128xi32, #tpu.memory_space<hbm>>
        %dma_wait3A_47 = tpu.memref_squeeze %dma_wait3A_46 : memref<1x1x2x128xi32, #tpu.memory_space<hbm>> -> memref<2x128xi32, #tpu.memory_space<hbm>>
        %dma_wait3A_48 = arith.constant 0 : i32
        %dma_wait3A_49 = arith.constant 0 : i32
        %dma_wait3A_50 = tpu.memref_slice %arg2[%add3A, %add3A_43, %dma_wait3A_48, %dma_wait3A_49] : memref<32x80x2x128xi32, #tpu.memory_space<hbm>> -> memref<1x1x2x128xi32, #tpu.memory_space<hbm>>
        %dma_wait3A_51 = tpu.memref_squeeze %dma_wait3A_50 : memref<1x1x2x128xi32, #tpu.memory_space<hbm>> -> memref<2x128xi32, #tpu.memory_space<hbm>>
        tpu.wait_dma2 semaphore(%arg10 : memref<!tpu.dma_semaphore, #tpu.memory_space<semaphore_mem>>) src(%dma_wait3A_51 : memref<2x128xi32, #tpu.memory_space<hbm>>) dst(%arg6 : memref<2x128xi32, #tpu.memory_space<vmem>>)
        %add3A_52 = arith.constant 3 : i32
        %add3A_53 = arith.addi %mul3A_23, %add3A_52 : i32
        %dma_start3A_54 = arith.constant 0 : i32
        %dma_start3A_55 = arith.constant 0 : i32
        %dma_start3A_56 = tpu.memref_slice %arg2[%add3A, %add3A_53, %dma_start3A_54, %dma_start3A_55] : memref<32x80x2x128xi32, #tpu.memory_space<hbm>> -> memref<1x1x2x128xi32, #tpu.memory_space<hbm>>
        %dma_start3A_57 = tpu.memref_squeeze %dma_start3A_56 : memref<1x1x2x128xi32, #tpu.memory_space<hbm>> -> memref<2x128xi32, #tpu.memory_space<hbm>>
        %dma_start3A_58 = arith.constant 0 : i32
        %dma_start3A_59 = arith.constant 0 : i32
        %dma_start3A_60 = tpu.memref_slice %arg2[%add3A, %add3A_53, %dma_start3A_58, %dma_start3A_59] : memref<32x80x2x128xi32, #tpu.memory_space<hbm>> -> memref<1x1x2x128xi32, #tpu.memory_space<hbm>>
        %dma_start3A_61 = tpu.memref_squeeze %dma_start3A_60 : memref<1x1x2x128xi32, #tpu.memory_space<hbm>> -> memref<2x128xi32, #tpu.memory_space<hbm>>
        tpu.enqueue_dma source(%dma_start3A_61 : memref<2x128xi32, #tpu.memory_space<hbm>>) target(%arg7 : memref<2x128xi32, #tpu.memory_space<vmem>>) target_semaphore(%arg11 : memref<!tpu.dma_semaphore, #tpu.memory_space<semaphore_mem>>)
      } else {
      }
    }
    %scan3A_15 = arith.constant 40 : i32
    %barrier3A_16 = arith.constant 0 : index
    tpu.barrier barrier_id(%barrier3A_16)
    %mul3A_17 = arith.constant 632 : i32
    %mul3A_18 = arith.muli %arg1, %mul3A_17 : i32
    %mul3A_19 = arith.constant 632 : i32
    %mul3A_20 = arith.muli %arg1, %mul3A_19 : i32
    "tpu.region"() ({
      %run_scoped3A_21 = tpu.sem_alloc : memref<!tpu.dma_semaphore, #tpu.memory_space<semaphore_mem>>
      %dma_start3A_22 = arith.constant 0 : i32
      %dma_start3A_23 = tpu.memref_slice %arg5[%arg0, %mul3A_20, %dma_start3A_22] : memref<2x10112x128xf32, #tpu.memory_space<hbm>> -> memref<1x632x128xf32, #tpu.memory_space<hbm>>
      %dma_start3A_24 = tpu.memref_squeeze %dma_start3A_23 : memref<1x632x128xf32, #tpu.memory_space<hbm>> -> memref<632x128xf32, #tpu.memory_space<hbm>>
      %dma_start3A_25 = arith.constant 0 : i32
      %dma_start3A_26 = tpu.memref_slice %arg9[%mul3A_18, %dma_start3A_25] : memref<10112x128xf32, #tpu.memory_space<vmem_shared>> -> memref<632x128xf32, #tpu.memory_space<vmem_shared>>
      tpu.enqueue_dma source(%dma_start3A_26 : memref<632x128xf32, #tpu.memory_space<vmem_shared>>) target(%dma_start3A_24 : memref<632x128xf32, #tpu.memory_space<hbm>>) target_semaphore(%run_scoped3A_21 : memref<!tpu.dma_semaphore, #tpu.memory_space<semaphore_mem>>)
      %dma_wait3A = arith.constant 0 : i32
      %dma_wait3A_27 = tpu.memref_slice %arg5[%arg0, %mul3A_20, %dma_wait3A] : memref<2x10112x128xf32, #tpu.memory_space<hbm>> -> memref<1x632x128xf32, #tpu.memory_space<hbm>>
      %dma_wait3A_28 = tpu.memref_squeeze %dma_wait3A_27 : memref<1x632x128xf32, #tpu.memory_space<hbm>> -> memref<632x128xf32, #tpu.memory_space<hbm>>
      %dma_wait3A_29 = arith.constant 0 : i32
      %dma_wait3A_30 = tpu.memref_slice %arg9[%mul3A_18, %dma_wait3A_29] : memref<10112x128xf32, #tpu.memory_space<vmem_shared>> -> memref<632x128xf32, #tpu.memory_space<vmem_shared>>
      tpu.wait_dma2 semaphore(%run_scoped3A_21 : memref<!tpu.dma_semaphore, #tpu.memory_space<semaphore_mem>>) src(%dma_wait3A_30 : memref<632x128xf32, #tpu.memory_space<vmem_shared>>) dst(%dma_wait3A_28 : memref<632x128xf32, #tpu.memory_space<hbm>>)
      tpu.yield
    }) : () -> ()
    return
  }
}

module attributes {stable_mosaic.version = 14 : i64} {
  func.func @_tc_a_body(%arg0: i32, %arg1: memref<2000x128xf32, #tpu.memory_space<vmem>>, %arg2: memref<2x2000x8xf32, #tpu.memory_space<vmem>>, %arg3: memref<128x128xf32, #tpu.memory_space<vmem>>, %arg4: memref<2000x128xf32, #tpu.memory_space<vmem>>) attributes {dimension_semantics = [#tpu.dimension_semantics<arbitrary>], iteration_bounds = array<i64: 5>, scalar_prefetch = 0 : i64, scratch_operands = 0 : i64, tpu.core_type = #tpu.core_type<tc>, window_params = [{transform_indices = @transform_0, window_bounds = array<i64: 2000, 128>}, {transform_indices = @transform_1, window_bounds = array<i64: 2, 2000, 8>}, {pipeline_mode = #tpu.pipeline_mode<synchronous>, transform_indices = @transform_2, window_bounds = array<i64: 128, 128>}, {transform_indices = @transform_3, window_bounds = array<i64: 2000, 128>}]} {
    %get3A = arith.constant 0 : index
    %get3A_0 = arith.constant 0 : index
    %get3A_1 = arith.constant 0 : index
    %get3A_2 = vector.load %arg2[%get3A, %get3A_0, %get3A_1] : memref<2x2000x8xf32, #tpu.memory_space<vmem>>, vector<1x2000x1xf32>
    %get3A_3 = vector.shape_cast %get3A_2 : vector<1x2000x1xf32> to vector<2000x1xf32>
    %add3A = arith.constant 1.000000e+00 : f32
    %add3A_4 = vector.broadcast %add3A : f32 to vector<2000x1xf32>
    %add3A_5 = arith.addf %add3A_4, %get3A_3 : vector<2000x1xf32>
    %get3A_6 = arith.constant 1 : index
    %get3A_7 = arith.constant 0 : index
    %get3A_8 = arith.constant 0 : index
    %get3A_9 = vector.load %arg2[%get3A_6, %get3A_7, %get3A_8] : memref<2x2000x8xf32, #tpu.memory_space<vmem>>, vector<1x2000x1xf32>
    %get3A_10 = vector.shape_cast %get3A_9 : vector<1x2000x1xf32> to vector<2000x1xf32>
    %add3A_11 = arith.addf %add3A_5, %get3A_10 : vector<2000x1xf32>
    %rsqrt3A = math.rsqrt %add3A_11 : vector<2000x1xf32>
    %get3A_12 = arith.constant 0 : index
    %get3A_13 = arith.constant 0 : index
    %get3A_14 = vector.load %arg1[%get3A_12, %get3A_13] : memref<2000x128xf32, #tpu.memory_space<vmem>>, vector<2000x128xf32>
    %get3A_15 = arith.constant 0 : index
    %get3A_16 = arith.constant 0 : index
    %get3A_17 = vector.load %arg3[%get3A_15, %get3A_16] : memref<128x128xf32, #tpu.memory_space<vmem>>, vector<128x128xf32>
    %dot_general3A = arith.constant dense<0.000000e+00> : vector<2000x128xf32>
    %dot_general3A_18 = tpu.matmul %get3A_14, %get3A_17, %dot_general3A {dimension_numbers = #tpu.dot_dimension_numbers<[1], [0], [0], [1], [0, 0, 1, 1], [], []>, transpose_lhs_hint = false} : vector<2000x128xf32>, vector<128x128xf32>, vector<2000x128xf32> -> vector<2000x128xf32>
    %mul3A = vector.broadcast %rsqrt3A : vector<2000x1xf32> to vector<2000x128xf32>
    %mul3A_19 = arith.mulf %dot_general3A_18, %mul3A : vector<2000x128xf32>
    %swap3A = arith.constant 0 : index
    %swap3A_20 = arith.constant 0 : index
    %swap3A_21 = vector.load %arg4[%swap3A, %swap3A_20] : memref<2000x128xf32, #tpu.memory_space<vmem>>, vector<2000x128xf32>
    tpu.vector_store %arg4[%swap3A, %swap3A_20], %mul3A_19 {strides = array<i32>} : memref<2000x128xf32, #tpu.memory_space<vmem>>, vector<2000x128xf32>,
    return
  }
  func.func @transform_0(%arg0: i32) -> (i32, i32) {
    %c0_i32 = arith.constant 0 : i32
    %c0_i32_0 = arith.constant 0 : i32
    return %arg0, %c0_i32 : i32, i32
  }
  func.func @transform_1(%arg0: i32) -> (i32, i32, i32) {
    %c0_i32 = arith.constant 0 : i32
    %c0_i32_0 = arith.constant 0 : i32
    %c0_i32_1 = arith.constant 0 : i32
    return %c0_i32, %arg0, %c0_i32_0 : i32, i32, i32
  }
  func.func @transform_2(%arg0: i32) -> (i32, i32) {
    %c0_i32 = arith.constant 0 : i32
    %c0_i32_0 = arith.constant 0 : i32
    %c0_i32_1 = arith.constant 0 : i32
    return %c0_i32, %c0_i32_0 : i32, i32
  }
  func.func @transform_3(%arg0: i32) -> (i32, i32) {
    %c0_i32 = arith.constant 0 : i32
    %c0_i32_0 = arith.constant 0 : i32
    return %arg0, %c0_i32 : i32, i32
  }
}

module attributes {stable_mosaic.version = 14 : i64} {
  func.func @_tc_b_body(%arg0: i32, %arg1: memref<2x2000x128xf32, #tpu.memory_space<vmem>>, %arg2: memref<2000x128xf32, #tpu.memory_space<vmem>>, %arg3: memref<2x2000x8xf32, #tpu.memory_space<vmem>>, %arg4: memref<128x128xf32, #tpu.memory_space<vmem>>, %arg5: memref<1x128xf32, #tpu.memory_space<vmem>>, %arg6: memref<2000x128xf32, #tpu.memory_space<vmem>>) attributes {dimension_semantics = [#tpu.dimension_semantics<arbitrary>], iteration_bounds = array<i64: 5>, scalar_prefetch = 0 : i64, scratch_operands = 0 : i64, tpu.core_type = #tpu.core_type<tc>, window_params = [{transform_indices = @transform_0, window_bounds = array<i64: 2, 2000, 128>}, {transform_indices = @transform_1, window_bounds = array<i64: 2000, 128>}, {transform_indices = @transform_2, window_bounds = array<i64: 2, 2000, 8>}, {pipeline_mode = #tpu.pipeline_mode<synchronous>, transform_indices = @transform_3, window_bounds = array<i64: 128, 128>}, {pipeline_mode = #tpu.pipeline_mode<synchronous>, transform_indices = @transform_4, window_bounds = array<i64: 1, 128>}, {transform_indices = @transform_5, window_bounds = array<i64: 2000, 128>}]} {
    %get3A = arith.constant 0 : index
    %get3A_0 = arith.constant 0 : index
    %get3A_1 = arith.constant 0 : index
    %get3A_2 = vector.load %arg3[%get3A, %get3A_0, %get3A_1] : memref<2x2000x8xf32, #tpu.memory_space<vmem>>, vector<1x2000x1xf32>
    %get3A_3 = vector.shape_cast %get3A_2 : vector<1x2000x1xf32> to vector<2000x1xf32>
    %add3A = arith.constant 1.000000e+00 : f32
    %add3A_4 = vector.broadcast %add3A : f32 to vector<2000x1xf32>
    %add3A_5 = arith.addf %add3A_4, %get3A_3 : vector<2000x1xf32>
    %get3A_6 = arith.constant 1 : index
    %get3A_7 = arith.constant 0 : index
    %get3A_8 = arith.constant 0 : index
    %get3A_9 = vector.load %arg3[%get3A_6, %get3A_7, %get3A_8] : memref<2x2000x8xf32, #tpu.memory_space<vmem>>, vector<1x2000x1xf32>
    %get3A_10 = vector.shape_cast %get3A_9 : vector<1x2000x1xf32> to vector<2000x1xf32>
    %add3A_11 = arith.addf %add3A_5, %get3A_10 : vector<2000x1xf32>
    %rsqrt3A = math.rsqrt %add3A_11 : vector<2000x1xf32>
    %get3A_12 = arith.constant 0 : index
    %get3A_13 = arith.constant 0 : index
    %get3A_14 = arith.constant 0 : index
    %get3A_15 = vector.load %arg1[%get3A_12, %get3A_13, %get3A_14] : memref<2x2000x128xf32, #tpu.memory_space<vmem>>, vector<1x2000x128xf32>
    %get3A_16 = vector.shape_cast %get3A_15 : vector<1x2000x128xf32> to vector<2000x128xf32>
    %get3A_17 = arith.constant 1 : index
    %get3A_18 = arith.constant 0 : index
    %get3A_19 = arith.constant 0 : index
    %get3A_20 = vector.load %arg1[%get3A_17, %get3A_18, %get3A_19] : memref<2x2000x128xf32, #tpu.memory_space<vmem>>, vector<1x2000x128xf32>
    %get3A_21 = vector.shape_cast %get3A_20 : vector<1x2000x128xf32> to vector<2000x128xf32>
    %add3A_22 = arith.addf %get3A_16, %get3A_21 : vector<2000x128xf32>
    %get3A_23 = arith.constant 0 : index
    %get3A_24 = arith.constant 0 : index
    %get3A_25 = vector.load %arg2[%get3A_23, %get3A_24] : memref<2000x128xf32, #tpu.memory_space<vmem>>, vector<2000x128xf32>
    %add3A_26 = arith.addf %add3A_22, %get3A_25 : vector<2000x128xf32>
    %mul3A = vector.broadcast %rsqrt3A : vector<2000x1xf32> to vector<2000x128xf32>
    %mul3A_27 = arith.mulf %mul3A, %add3A_26 : vector<2000x128xf32>
    %get3A_28 = arith.constant 0 : index
    %get3A_29 = arith.constant 0 : index
    %get3A_30 = vector.load %arg5[%get3A_28, %get3A_29] : memref<1x128xf32, #tpu.memory_space<vmem>>, vector<1x128xf32>
    %add3A_31 = vector.broadcast %get3A_30 : vector<1x128xf32> to vector<2000x128xf32>
    %add3A_32 = arith.addf %mul3A_27, %add3A_31 : vector<2000x128xf32>
    %max3A = arith.constant 0.000000e+00 : f32
    %max3A_33 = vector.broadcast %max3A : f32 to vector<2000x128xf32>
    %max3A_34 = arith.maximumf %add3A_32, %max3A_33 : vector<2000x128xf32>
    %get3A_35 = arith.constant 0 : index
    %get3A_36 = arith.constant 0 : index
    %get3A_37 = vector.load %arg4[%get3A_35, %get3A_36] : memref<128x128xf32, #tpu.memory_space<vmem>>, vector<128x128xf32>
    %dot_general3A = arith.constant dense<0.000000e+00> : vector<2000x128xf32>
    %dot_general3A_38 = tpu.matmul %max3A_34, %get3A_37, %dot_general3A {dimension_numbers = #tpu.dot_dimension_numbers<[1], [0], [0], [1], [0, 0, 1, 1], [], []>, transpose_lhs_hint = false} : vector<2000x128xf32>, vector<128x128xf32>, vector<2000x128xf32> -> vector<2000x128xf32>
    %mul3A_39 = vector.broadcast %rsqrt3A : vector<2000x1xf32> to vector<2000x128xf32>
    %mul3A_40 = arith.mulf %dot_general3A_38, %mul3A_39 : vector<2000x128xf32>
    %swap3A = arith.constant 0 : index
    %swap3A_41 = arith.constant 0 : index
    %swap3A_42 = vector.load %arg6[%swap3A, %swap3A_41] : memref<2000x128xf32, #tpu.memory_space<vmem>>, vector<2000x128xf32>
    tpu.vector_store %arg6[%swap3A, %swap3A_41], %mul3A_40 {strides = array<i32>} : memref<2000x128xf32, #tpu.memory_space<vmem>>, vector<2000x128xf32>,
    return
  }
  func.func @transform_0(%arg0: i32) -> (i32, i32, i32) {
    %c0_i32 = arith.constant 0 : i32
    %c0_i32_0 = arith.constant 0 : i32
    %c0_i32_1 = arith.constant 0 : i32
    return %c0_i32, %arg0, %c0_i32_0 : i32, i32, i32
  }
  func.func @transform_1(%arg0: i32) -> (i32, i32) {
    %c0_i32 = arith.constant 0 : i32
    %c0_i32_0 = arith.constant 0 : i32
    return %arg0, %c0_i32 : i32, i32
  }
  func.func @transform_2(%arg0: i32) -> (i32, i32, i32) {
    %c0_i32 = arith.constant 0 : i32
    %c0_i32_0 = arith.constant 0 : i32
    %c0_i32_1 = arith.constant 0 : i32
    return %c0_i32, %arg0, %c0_i32_0 : i32, i32, i32
  }
  func.func @transform_3(%arg0: i32) -> (i32, i32) {
    %c0_i32 = arith.constant 0 : i32
    %c0_i32_0 = arith.constant 0 : i32
    %c0_i32_1 = arith.constant 0 : i32
    return %c0_i32, %c0_i32_0 : i32, i32
  }
  func.func @transform_4(%arg0: i32) -> (i32, i32) {
    %c0_i32 = arith.constant 0 : i32
    %c0_i32_0 = arith.constant 0 : i32
    %c0_i32_1 = arith.constant 0 : i32
    return %c0_i32, %c0_i32_0 : i32, i32
  }
  func.func @transform_5(%arg0: i32) -> (i32, i32) {
    %c0_i32 = arith.constant 0 : i32
    %c0_i32_0 = arith.constant 0 : i32
    return %arg0, %c0_i32 : i32, i32
  }
}

module attributes {stable_mosaic.version = 14 : i64} {
  func.func @_tc_c_body(%arg0: i32, %arg1: memref<2x2000x128xf32, #tpu.memory_space<vmem>>, %arg2: memref<2000x128xf32, #tpu.memory_space<vmem>>, %arg3: memref<2x2000x8xf32, #tpu.memory_space<vmem>>, %arg4: memref<1x128xf32, #tpu.memory_space<vmem>>, %arg5: memref<128x128xf32, #tpu.memory_space<vmem>>, %arg6: memref<1x128xf32, #tpu.memory_space<vmem>>, %arg7: memref<1x1x2000xi32, #tpu.memory_space<vmem>>, %arg8: memref<128x128xf32, #tpu.memory_space<vmem>>, %arg9: memref<128x128xf32, #tpu.memory_space<vmem>>, %arg10: memref<128x128xf32, #tpu.memory_space<vmem>>, %arg11: memref<128x128xf32, #tpu.memory_space<vmem>>) attributes {dimension_semantics = [#tpu.dimension_semantics<arbitrary>], iteration_bounds = array<i64: 5>, scalar_prefetch = 0 : i64, scratch_operands = 2 : i64, tpu.core_type = #tpu.core_type<tc>, window_params = [{transform_indices = @transform_0, window_bounds = array<i64: 2, 2000, 128>}, {transform_indices = @transform_1, window_bounds = array<i64: 2000, 128>}, {transform_indices = @transform_2, window_bounds = array<i64: 2, 2000, 8>}, {pipeline_mode = #tpu.pipeline_mode<synchronous>, transform_indices = @transform_3, window_bounds = array<i64: 1, 128>}, {pipeline_mode = #tpu.pipeline_mode<synchronous>, transform_indices = @transform_4, window_bounds = array<i64: 128, 128>}, {pipeline_mode = #tpu.pipeline_mode<synchronous>, transform_indices = @transform_5, window_bounds = array<i64: 1, 128>}, {transform_indices = @transform_6, window_bounds = array<i64: 1, 1, 2000>}, {pipeline_mode = #tpu.pipeline_mode<synchronous>, transform_indices = @transform_7, window_bounds = array<i64: 128, 128>}, {pipeline_mode = #tpu.pipeline_mode<synchronous>, transform_indices = @transform_8, window_bounds = array<i64: 128, 128>}]} {
    %eq3A = arith.constant 0 : i32
    %eq3A_0 = arith.cmpi eq, %arg0, %eq3A : i32
    %convert_element_type3A = arith.extui %eq3A_0 : i1 to i32
    %cond3A = arith.constant 0 : i32
    %cond3A_1 = arith.cmpi ne, %convert_element_type3A, %cond3A : i32
    scf.if %cond3A_1 {
      %broadcast_in_dim3A_69 = arith.constant 0.000000e+00 : f32
      %broadcast_in_dim3A_70 = vector.broadcast %broadcast_in_dim3A_69 : f32 to vector<128x128xf32>
      %swap3A_71 = arith.constant 0 : index
      %swap3A_72 = arith.constant 0 : index
      %swap3A_73 = vector.load %arg10[%swap3A_71, %swap3A_72] : memref<128x128xf32, #tpu.memory_space<vmem>>, vector<128x128xf32>
      tpu.vector_store %arg10[%swap3A_71, %swap3A_72], %broadcast_in_dim3A_70 {strides = array<i32>} : memref<128x128xf32, #tpu.memory_space<vmem>>, vector<128x128xf32>,
      %broadcast_in_dim3A_74 = arith.constant 0.000000e+00 : f32
      %broadcast_in_dim3A_75 = vector.broadcast %broadcast_in_dim3A_74 : f32 to vector<128x128xf32>
      %swap3A_76 = arith.constant 0 : index
      %swap3A_77 = arith.constant 0 : index
      %swap3A_78 = vector.load %arg11[%swap3A_76, %swap3A_77] : memref<128x128xf32, #tpu.memory_space<vmem>>, vector<128x128xf32>
      tpu.vector_store %arg11[%swap3A_76, %swap3A_77], %broadcast_in_dim3A_75 {strides = array<i32>} : memref<128x128xf32, #tpu.memory_space<vmem>>, vector<128x128xf32>,
    } else {
    }
    %get3A = arith.constant 0 : index
    %get3A_2 = arith.constant 0 : index
    %get3A_3 = arith.constant 0 : index
    %get3A_4 = vector.load %arg3[%get3A, %get3A_2, %get3A_3] : memref<2x2000x8xf32, #tpu.memory_space<vmem>>, vector<1x2000x1xf32>
    %get3A_5 = vector.shape_cast %get3A_4 : vector<1x2000x1xf32> to vector<2000x1xf32>
    %add3A = arith.constant 1.000000e+00 : f32
    %add3A_6 = vector.broadcast %add3A : f32 to vector<2000x1xf32>
    %add3A_7 = arith.addf %add3A_6, %get3A_5 : vector<2000x1xf32>
    %get3A_8 = arith.constant 1 : index
    %get3A_9 = arith.constant 0 : index
    %get3A_10 = arith.constant 0 : index
    %get3A_11 = vector.load %arg3[%get3A_8, %get3A_9, %get3A_10] : memref<2x2000x8xf32, #tpu.memory_space<vmem>>, vector<1x2000x1xf32>
    %get3A_12 = vector.shape_cast %get3A_11 : vector<1x2000x1xf32> to vector<2000x1xf32>
    %add3A_13 = arith.addf %add3A_7, %get3A_12 : vector<2000x1xf32>
    %rsqrt3A = math.rsqrt %add3A_13 : vector<2000x1xf32>
    %get3A_14 = arith.constant 0 : index
    %get3A_15 = arith.constant 0 : index
    %get3A_16 = arith.constant 0 : index
    %get3A_17 = vector.load %arg1[%get3A_14, %get3A_15, %get3A_16] : memref<2x2000x128xf32, #tpu.memory_space<vmem>>, vector<1x2000x128xf32>
    %get3A_18 = vector.shape_cast %get3A_17 : vector<1x2000x128xf32> to vector<2000x128xf32>
    %get3A_19 = arith.constant 1 : index
    %get3A_20 = arith.constant 0 : index
    %get3A_21 = arith.constant 0 : index
    %get3A_22 = vector.load %arg1[%get3A_19, %get3A_20, %get3A_21] : memref<2x2000x128xf32, #tpu.memory_space<vmem>>, vector<1x2000x128xf32>
    %get3A_23 = vector.shape_cast %get3A_22 : vector<1x2000x128xf32> to vector<2000x128xf32>
    %add3A_24 = arith.addf %get3A_18, %get3A_23 : vector<2000x128xf32>
    %get3A_25 = arith.constant 0 : index
    %get3A_26 = arith.constant 0 : index
    %get3A_27 = vector.load %arg2[%get3A_25, %get3A_26] : memref<2000x128xf32, #tpu.memory_space<vmem>>, vector<2000x128xf32>
    %add3A_28 = arith.addf %add3A_24, %get3A_27 : vector<2000x128xf32>
    %mul3A = vector.broadcast %rsqrt3A : vector<2000x1xf32> to vector<2000x128xf32>
    %mul3A_29 = arith.mulf %mul3A, %add3A_28 : vector<2000x128xf32>
    %get3A_30 = arith.constant 0 : index
    %get3A_31 = arith.constant 0 : index
    %get3A_32 = vector.load %arg4[%get3A_30, %get3A_31] : memref<1x128xf32, #tpu.memory_space<vmem>>, vector<1x128xf32>
    %add3A_33 = vector.broadcast %get3A_32 : vector<1x128xf32> to vector<2000x128xf32>
    %add3A_34 = arith.addf %mul3A_29, %add3A_33 : vector<2000x128xf32>
    %max3A = arith.constant 0.000000e+00 : f32
    %max3A_35 = vector.broadcast %max3A : f32 to vector<2000x128xf32>
    %max3A_36 = arith.maximumf %add3A_34, %max3A_35 : vector<2000x128xf32>
    %get3A_37 = arith.constant 0 : index
    %get3A_38 = arith.constant 0 : index
    %get3A_39 = arith.constant 0 : index
    %get3A_40 = vector.load %arg7[%get3A_37, %get3A_38, %get3A_39] : memref<1x1x2000xi32, #tpu.memory_space<vmem>>, vector<1x1x2000xi32>
    %get3A_41 = vector.shape_cast %get3A_40 : vector<1x1x2000xi32> to vector<2000xi32>
    %iota3A = tpu.iota {dimensions = array<i32: 0>} : vector<128x2000xi32>
    %broadcast_in_dim3A = vector.shape_cast %get3A_41 : vector<2000xi32> to vector<1x2000xi32>
    %eq3A_42 = vector.broadcast %broadcast_in_dim3A : vector<1x2000xi32> to vector<128x2000xi32>
    %eq3A_43 = arith.cmpi eq, %eq3A_42, %iota3A : vector<128x2000xi32>
    %convert_element_type3A_44 = arith.extui %eq3A_43 : vector<128x2000xi1> to vector<128x2000xi32>
    %convert_element_type3A_45 = arith.sitofp %convert_element_type3A_44 : vector<128x2000xi32> to vector<128x2000xf32>
    %get3A_46 = arith.constant 0 : index
    %get3A_47 = arith.constant 0 : index
    %get3A_48 = vector.load %arg10[%get3A_46, %get3A_47] : memref<128x128xf32, #tpu.memory_space<vmem>>, vector<128x128xf32>
    %dot_general3A = arith.constant dense<0.000000e+00> : vector<128x128xf32>
    %dot_general3A_49 = tpu.matmul %convert_element_type3A_45, %max3A_36, %dot_general3A {dimension_numbers = #tpu.dot_dimension_numbers<[1], [0], [0], [1], [0, 0, 1, 1], [], []>, transpose_lhs_hint = false} : vector<128x2000xf32>, vector<2000x128xf32>, vector<128x128xf32> -> vector<128x128xf32>
    %add3A_50 = arith.addf %get3A_48, %dot_general3A_49 : vector<128x128xf32>
    %swap3A = arith.constant 0 : index
    %swap3A_51 = arith.constant 0 : index
    %swap3A_52 = vector.load %arg10[%swap3A, %swap3A_51] : memref<128x128xf32, #tpu.memory_space<vmem>>, vector<128x128xf32>
    tpu.vector_store %arg10[%swap3A, %swap3A_51], %add3A_50 {strides = array<i32>} : memref<128x128xf32, #tpu.memory_space<vmem>>, vector<128x128xf32>,
    %get3A_53 = arith.constant 0 : index
    %get3A_54 = arith.constant 0 : index
    %get3A_55 = vector.load %arg11[%get3A_53, %get3A_54] : memref<128x128xf32, #tpu.memory_space<vmem>>, vector<128x128xf32>
    %broadcast_in_dim3A_56 = arith.constant 1.000000e+00 : f32
    %broadcast_in_dim3A_57 = vector.broadcast %broadcast_in_dim3A_56 : f32 to vector<2000x128xf32>
    %dot_general3A_58 = arith.constant dense<0.000000e+00> : vector<128x128xf32>
    %dot_general3A_59 = tpu.matmul %convert_element_type3A_45, %broadcast_in_dim3A_57, %dot_general3A_58 {dimension_numbers = #tpu.dot_dimension_numbers<[1], [0], [0], [1], [0, 0, 1, 1], [], []>, transpose_lhs_hint = false} : vector<128x2000xf32>, vector<2000x128xf32>, vector<128x128xf32> -> vector<128x128xf32>
    %add3A_60 = arith.addf %get3A_55, %dot_general3A_59 : vector<128x128xf32>
    %swap3A_61 = arith.constant 0 : index
    %swap3A_62 = arith.constant 0 : index
    %swap3A_63 = vector.load %arg11[%swap3A_61, %swap3A_62] : memref<128x128xf32, #tpu.memory_space<vmem>>, vector<128x128xf32>
    tpu.vector_store %arg11[%swap3A_61, %swap3A_62], %add3A_60 {strides = array<i32>} : memref<128x128xf32, #tpu.memory_space<vmem>>, vector<128x128xf32>,
    %eq3A_64 = arith.constant 4 : i32
    %eq3A_65 = arith.cmpi eq, %arg0, %eq3A_64 : i32
    %convert_element_type3A_66 = arith.extui %eq3A_65 : i1 to i32
    %cond3A_67 = arith.constant 0 : i32
    %cond3A_68 = arith.cmpi ne, %convert_element_type3A_66, %cond3A_67 : i32
    scf.if %cond3A_68 {
      %get3A_69 = arith.constant 0 : index
      %get3A_70 = arith.constant 0 : index
      %get3A_71 = vector.load %arg11[%get3A_69, %get3A_70] : memref<128x128xf32, #tpu.memory_space<vmem>>, vector<128x128xf32>
      %max3A_72 = arith.constant 1.000000e+00 : f32
      %max3A_73 = vector.broadcast %max3A_72 : f32 to vector<128x128xf32>
      %max3A_74 = arith.maximumf %get3A_71, %max3A_73 : vector<128x128xf32>
      %get3A_75 = arith.constant 0 : index
      %get3A_76 = arith.constant 0 : index
      %get3A_77 = vector.load %arg10[%get3A_75, %get3A_76] : memref<128x128xf32, #tpu.memory_space<vmem>>, vector<128x128xf32>
      %div3A = arith.divf %get3A_77, %max3A_74 : vector<128x128xf32>
      %swap3A_78 = arith.constant 0 : index
      %swap3A_79 = arith.constant 0 : index
      %swap3A_80 = vector.load %arg9[%swap3A_78, %swap3A_79] : memref<128x128xf32, #tpu.memory_space<vmem>>, vector<128x128xf32>
      tpu.vector_store %arg9[%swap3A_78, %swap3A_79], %div3A {strides = array<i32>} : memref<128x128xf32, #tpu.memory_space<vmem>>, vector<128x128xf32>,
      %get3A_81 = arith.constant 0 : index
      %get3A_82 = arith.constant 0 : index
      %get3A_83 = vector.load %arg5[%get3A_81, %get3A_82] : memref<128x128xf32, #tpu.memory_space<vmem>>, vector<128x128xf32>
      %dot_general3A_84 = arith.constant dense<0.000000e+00> : vector<128x128xf32>
      %dot_general3A_85 = tpu.matmul %div3A, %get3A_83, %dot_general3A_84 {dimension_numbers = #tpu.dot_dimension_numbers<[1], [0], [0], [1], [0, 0, 1, 1], [], []>, transpose_lhs_hint = false} : vector<128x128xf32>, vector<128x128xf32>, vector<128x128xf32> -> vector<128x128xf32>
      %get3A_86 = arith.constant 0 : index
      %get3A_87 = arith.constant 0 : index
      %get3A_88 = vector.load %arg6[%get3A_86, %get3A_87] : memref<1x128xf32, #tpu.memory_space<vmem>>, vector<1x128xf32>
      %add3A_89 = vector.broadcast %get3A_88 : vector<1x128xf32> to vector<128x128xf32>
      %add3A_90 = arith.addf %dot_general3A_85, %add3A_89 : vector<128x128xf32>
      %swap3A_91 = arith.constant 0 : index
      %swap3A_92 = arith.constant 0 : index
      %swap3A_93 = vector.load %arg8[%swap3A_91, %swap3A_92] : memref<128x128xf32, #tpu.memory_space<vmem>>, vector<128x128xf32>
      tpu.vector_store %arg8[%swap3A_91, %swap3A_92], %add3A_90 {strides = array<i32>} : memref<128x128xf32, #tpu.memory_space<vmem>>, vector<128x128xf32>,
    } else {
    }
    return
  }
  func.func @transform_0(%arg0: i32) -> (i32, i32, i32) {
    %c0_i32 = arith.constant 0 : i32
    %c0_i32_0 = arith.constant 0 : i32
    %c0_i32_1 = arith.constant 0 : i32
    return %c0_i32, %arg0, %c0_i32_0 : i32, i32, i32
  }
  func.func @transform_1(%arg0: i32) -> (i32, i32) {
    %c0_i32 = arith.constant 0 : i32
    %c0_i32_0 = arith.constant 0 : i32
    return %arg0, %c0_i32 : i32, i32
  }
  func.func @transform_2(%arg0: i32) -> (i32, i32, i32) {
    %c0_i32 = arith.constant 0 : i32
    %c0_i32_0 = arith.constant 0 : i32
    %c0_i32_1 = arith.constant 0 : i32
    return %c0_i32, %arg0, %c0_i32_0 : i32, i32, i32
  }
  func.func @transform_3(%arg0: i32) -> (i32, i32) {
    %c0_i32 = arith.constant 0 : i32
    %c0_i32_0 = arith.constant 0 : i32
    %c0_i32_1 = arith.constant 0 : i32
    return %c0_i32, %c0_i32_0 : i32, i32
  }
  func.func @transform_4(%arg0: i32) -> (i32, i32) {
    %c0_i32 = arith.constant 0 : i32
    %c0_i32_0 = arith.constant 0 : i32
    %c0_i32_1 = arith.constant 0 : i32
    return %c0_i32, %c0_i32_0 : i32, i32
  }
  func.func @transform_5(%arg0: i32) -> (i32, i32) {
    %c0_i32 = arith.constant 0 : i32
    %c0_i32_0 = arith.constant 0 : i32
    %c0_i32_1 = arith.constant 0 : i32
    return %c0_i32, %c0_i32_0 : i32, i32
  }
  func.func @transform_6(%arg0: i32) -> (i32, i32, i32) {
    %c0_i32 = arith.constant 0 : i32
    %c0_i32_0 = arith.constant 0 : i32
    %c0_i32_1 = arith.constant 0 : i32
    return %arg0, %c0_i32, %c0_i32_0 : i32, i32, i32
  }
  func.func @transform_7(%arg0: i32) -> (i32, i32) {
    %c0_i32 = arith.constant 0 : i32
    %c0_i32_0 = arith.constant 0 : i32
    %c0_i32_1 = arith.constant 0 : i32
    return %c0_i32, %c0_i32_0 : i32, i32
  }
  func.func @transform_8(%arg0: i32) -> (i32, i32) {
    %c0_i32 = arith.constant 0 : i32
    %c0_i32_0 = arith.constant 0 : i32
    %c0_i32_1 = arith.constant 0 : i32
    return %c0_i32, %c0_i32_0 : i32, i32
  }
}

</mosaic_0001>

<sc_bundles>
// kernel: kernel.11.cloned.1.call-start
scs
__scs_entry_jumppad:
0x0: {  	(pc) =	sbr.rel $0x88, $3  }
0x1: {  	(tag) =	ssettag $0x0;
	lr =	simm.s32 $0x1  }
0x2: {  	[smem:$0x3F98] =	sst lr;
	_ =	strace $0xD0000000  }
0x3: {  	_ = 	snop  }
0x4: {  	_ = 	snop  }
0x5: {  	_ = 	snop  }
0x6: {  	_ = 	snop  }
0x7: {  	_ = 	snop  }
__scs_overlays_trampoline_lowered:
0x8: {  	[smem:$0x3FA7] =	sst s0  }
0x9: {  	[smem:$0x3FA8] =	sst s1  }
0xa: {  	[smem:$0x3FA9] =	sst s2  }
0xb: {  	[smem:$0x3FAA] =	sst s3  }
0xc: {  	[smem:$0x3FAB] =	sst s4  }
0xd: {  	[smem:$0x3FAC] =	sst s5  }
0xe: {  	[smem:$0x3FAD] =	sst s6  }
0xf: {  	[smem:$0x3FAE] =	sst s7  }
0x10: {  	[smem:$0x3FAF] =	sst s8  }
0x11: {  	[smem:$0x3FB0] =	sst s9;
	s0 =	simm.s32 @!p0 $0x0  }
0x12: {  	s1 =	sld [smem:$0x3F96];
	s0 =	simm.s32 @p0 $0x1  }
0x13: {  	[smem:$0x3FB1] =	sst s0;
	s0 =	simm.s32 @!p1 $0x0  }
0x14: {  	s2 =	sld [smem:$0x3F95];
	s0 =	simm.s32 @p1 $0x1  }
0x15: {  	[smem:$0x3FB2] =	sst s0;
	s0 =	simm.s32 @!p2 $0x0  }
0x16: {  	s3 =	sld [smem:$0x3FDB];
	s0 =	simm.s32 @p2 $0x1  }
0x17: {  	s4 =	simm.s32 $0x1BF5;
	[smem:$0x3FB4] =	sst s0  }
0x18: {  	s0 =	sld [smem:$0x3F97];
	_ =	swait.ge [sflag:s4], $0x0  }
0x19: {  	s7 =	sld [smem:$0x3F98]  }
0x1a: {  	s8 =	sadd.s32 $0xFFFFE003, lr  }
0x1b: {  	s9 =	sadd.s32 $0xFFFFFEF7, lr;
	s5 =	simm.s32 $0xFFFFFFFF;
	p2 =	slt.u32 s8, $0xFFFFF086  }
0x1c: {  	p1 =	slt.u32 s9, $0xF7A;
	s5 =	simm.s32 @!p2 $0x0  }
0x1d: {  	s5 =	simm.s32 @p1 $0x1;
	p0 =	seq.s32 s7, s2  }
0x1e: {  	s7 =	smul.u32 @!p0 $0xF7A, s2;
	p2 =	seq.s32 @!p0 s5, $0x0  }
0x1f: {  	s9 =	smul.u32 $0xF7A, s1;
	s8 =	simm.s32 @!p0 $0x1BF5;
	p2 =	por !p2, p0  }
0x20: {  	[sflag:s8] =	ssyncset.s32 @!p0 $0xFFFFF086;
	s6 =	sadd.s32 @!p0 s3, s7;
	s7 =	simm.s32 @!p0 $0x108  }
0x21: {  	s3 =	sadd.s32 s3, s9;
	s6 =	sadd.s32 @!p0 $0x88, s6;
	s7 =	simm.s32 @p2 $0x1082  }
0x22: {  	[simem:s7], [sflag:s8] =	dma.local @!p0 [hbm:s6], $0xF7A  }
0x23: {  	s9 =	sor.u32 $0xD0000000, s2;
	s6 =	simm.s32 $0x108;
	_ =	swait.ge @!p0 [sflag:s8], $0x0  }
0x24: {  	s3 =	sadd.s32 $0x88, s3;
	s6 =	simm.s32 @!p1 $0x1082;
	[sflag:s4] =	ssyncset.s32 $0xFFFFF086  }
0x25: {  	[simem:s6], [sflag:s4] =	dma.local [hbm:s3], $0xF7A  }
0x26: {  	[smem:$0x3F98] =	sst s1;
	(tag) =	ssettag s2;
	_ =	strace s9  }
0x27: {  	s1 =	sld [smem:$0x3FA8]  }
0x28: {  	s2 =	sld [smem:$0x3FA9]  }
0x29: {  	s4 =	sld [smem:$0x3FAB]  }
0x2a: {  	p0 =	seq.s32 s5, $0x0;
	s5 =	sld [smem:$0x3FAC]  }
0x2b: {  	s6 =	sld [smem:$0x3FAD]  }
0x2c: {  	s7 =	sld [smem:$0x3FAE]  }
0x2d: {  	s3 =	simm.s32 $0x108;
	s8 =	sld [smem:$0x3FAF]  }
0x2e: {  	s3 =	simm.s32 @!p0 $0x1082;
	s9 =	sld [smem:$0x3FB0]  }
0x2f: {  	lr =	sadd.s32 s0, s3;
	s0 =	sld [smem:$0x3FA7]  }
0x30: {  	s3 =	sld [smem:$0x3FAA]  }
0x31: {  	[smem:$0x3FB3] =	sst s10  }
0x32: {  	s10 =	sld [smem:$0x3FB1];
	_ =	sdelay $0x3  }
0x33: {  	p0 =	seq.s32 s10, $0x1;
	s10 =	sld [smem:$0x3FB3];
	_ =	sdelay $0x3  }
0x34: {  	[smem:$0x3FB3] =	sst s10  }
0x35: {  	s10 =	sld [smem:$0x3FB2];
	_ =	sdelay $0x3  }
0x36: {  	p1 =	seq.s32 s10, $0x1;
	s10 =	sld [smem:$0x3FB3];
	_ =	sdelay $0x3  }
0x37: {  	[smem:$0x3FB3] =	sst s10  }
0x38: {  	s10 =	sld [smem:$0x3FB4]  }
0x39: {  	_ = 	snop;
	(pc) =	sbr.ind lr, $3  }
0x3a: {  	_ = 	snop  }
0x3b: {  	_ = 	snop  }
0x3c: {  	p2 =	seq.s32 s10, $0x1;
	s10 =	sld [smem:$0x3FB3]  }
0x3d: {  	_ =	shalt  }
0x3e: {  	_ =	shalt  }
0x3f: {  	_ =	shalt  }
0x40: {  	_ =	shalt  }
0x41: {  	_ =	shalt  }
0x42: {  	_ =	shalt  }
0x43: {  	_ =	shalt  }
0x44: {  	_ =	shalt  }
0x45: {  	_ =	shalt  }
0x46: {  	_ =	shalt  }
0x47: {  	_ =	shalt  }
0x48: {  	_ =	shalt  }
0x49: {  	_ =	shalt  }
0x4a: {  	_ =	shalt  }
0x4b: {  	_ =	shalt  }
0x4c: {  	_ =	shalt  }
0x4d: {  	_ =	shalt  }
0x4e: {  	_ =	shalt  }
0x4f: {  	_ =	shalt  }
0x50: {  	_ =	shalt  }
0x51: {  	_ =	shalt  }
0x52: {  	_ =	shalt  }
0x53: {  	_ =	shalt  }
0x54: {  	_ =	shalt  }
0x55: {  	_ =	shalt  }
0x56: {  	_ =	shalt  }
0x57: {  	_ =	shalt  }
0x58: {  	_ =	shalt  }
0x59: {  	_ =	shalt  }
0x5a: {  	_ =	shalt  }
0x5b: {  	_ =	shalt  }
0x5c: {  	_ =	shalt  }
0x5d: {  	_ =	shalt  }
0x5e: {  	_ =	shalt  }
0x5f: {  	_ =	shalt  }
0x60: {  	_ =	shalt  }
0x61: {  	_ =	shalt  }
0x62: {  	_ =	shalt  }
0x63: {  	_ =	shalt  }
0x64: {  	_ =	shalt  }
0x65: {  	_ =	shalt  }
0x66: {  	_ =	shalt  }
0x67: {  	_ =	shalt  }
0x68: {  	_ =	shalt  }
0x69: {  	_ =	shalt  }
0x6a: {  	_ =	shalt  }
0x6b: {  	_ =	shalt  }
0x6c: {  	_ =	shalt  }
0x6d: {  	_ =	shalt  }
0x6e: {  	_ =	shalt  }
0x6f: {  	_ =	shalt  }
0x70: {  	_ =	shalt  }
0x71: {  	_ =	shalt  }
0x72: {  	_ =	shalt  }
0x73: {  	_ =	shalt  }
0x74: {  	_ =	shalt  }
0x75: {  	_ =	shalt  }
0x76: {  	_ =	shalt  }
0x77: {  	_ =	shalt  }
0x78: {  	_ =	shalt  }
0x79: {  	_ =	shalt  }
0x7a: {  	_ =	shalt  }
0x7b: {  	_ =	shalt  }
0x7c: {  	_ =	shalt  }
0x7d: {  	_ =	shalt  }
0x7e: {  	_ =	shalt  }
0x7f: {  	_ =	shalt  }
0x80: {  	_ =	shalt  }
0x81: {  	_ =	shalt  }
0x82: {  	_ =	shalt  }
0x83: {  	_ =	shalt  }
0x84: {  	_ =	shalt  }
0x85: {  	_ =	shalt  }
0x86: {  	_ =	shalt  }
0x87: {  	_ =	shalt  }
.Lfunc_end0:
.L_simem_size_0:
called_computation.1_lowered:
.L_overlay_start_0:
0x88: {  	s2 =	sld [smem:$0x3FD9]  }
0x89: {  	s3 =	sld [smem:$0x3FFE];
	_ =	sdelay $0x1  }
0x8a: {  	s1 =	srdreg.scid  }
0x8b: {  	s0 =	sand.u32 $0x1, s1  }
0x8c: {  	s16 =	sshll.u32 s0, $0xA;
	s2 =	sadd.s32 s3, s2  }
0x8d: {  	s2 =	sadd.s32 s2, s16  }
0x8e: {  	[smem:$0x3FBF] =	sst s2  }
0x8f: {  	_ = 	snop  }
0x90: {  	(tm) =	ssettm $0x1  }
0x91: {  	s17 =	sld [smem:$0x3FFB];
	_ =	sdelay $0x3  }
0x92: {  	_ =	strace s17  }
0x93: {  	s2 =	sld [smem:$0x3FFC];
	_ =	sdelay $0x3  }
0x94: {  	_ =	strace s2  }
0x95: {  	s2 =	sld [smem:$0x3FFD];
	_ =	sdelay $0x3  }
0x96: {  	_ =	strace s2  }
0x97: {  	_ =	strace $0x8FFFFFFF  }
0x98: {  	s18 =	sld [smem:$0x3FDB];
	_ =	sdelay $0x1  }
0x99: {  	s19 =	simm.s32 $_scs_section_size  }
0x9a: {  	s4 =	simm.s32 $_size__tile_overlayer_lowered;
	s5 =	simm.s32 $_tile_overlayer_lowered  }
0x9b: {  	s22 =	simm.s32 $0x1BFF;
	s21 =	sshll.u32 s5, $0x1;
	s2 =	sadd.s32 s19, s18  }
0x9c: {  	s6 =	simm.s32 $0x0;
	s20 =	sshll.u32 s4, $0x1;
	s4 =	sadd.s32 s21, s2  }
0x9d: {  	[timem:s6], [sflag:s22] =	dma.local [hbm:s4], s20  }
0x9e: {  	_ =	swait.ge [sflag:s22], s20  }
0x9f: {  	s3 =	ssub.s32 $0x0, s20;
	[sflag:s22] =	ssyncset.done $0x0  }
0xa0: {  	[sflag:s22] =	ssyncadd.s32 s3;
	_ =	sdelay $0x1  }
0xa1: {  	s23 =	simm.s32 $0x1B8B  }
0xa2: {  	_ =	swait.ge [sflag:s23], $0x1  }
0xa3: {  	[sflag:s23] =	ssyncset.done $0x0  }
0xa4: {  	s25 =	simm.s32 $0x1B8E;
	s24 =	sld [smem:$0x3FFE];
	[sflag:s23] =	ssyncadd.s32 $0xFFFFFFFF  }
0xa5: {  	s26 =	simm.s32 $execute0_lowered;
	[smem:$0x3FD2] =	sst s25  }
0xa6: {  	s4 =	sshll.u32 s26, $0x1;
	_ =	strace $0x80000049;
	[dreg:$0x1] =	wrdreg $0xFFFFFFFF  }
0xa7: {  	s28 =	simm.s32 $_size_execute0_lowered;
	s2 =	sadd.s32 s2, s4;
	[dreg:$0x0] =	wrdreg $0x0  }
0xa8: {  	s4 =	sshll.u32 s28, $0x1;
	[dreg:$0x2] =	wrdreg s2  }
0xa9: {  	[dreg:$0x3] =	wrdreg s4  }
0xaa: {  	[dreg:$0x4] =	wrdreg $0xC0  }
0xab: {  	_ =	task [dreg:s6], $0x5FFFF  }
0xac: {  	[dreg:$0x1] =	wrdreg $0xFFFFFFFF  }
0xad: {  	[dreg:$0x0] =	wrdreg $0x60  }
0xae: {  	[dreg:$0x2] =	wrdreg s24  }
0xaf: {  	[dreg:$0x3] =	wrdreg $0x84000  }
0xb0: {  	[dreg:$0x4] =	wrdreg $0x9  }
0xb1: {  	_ =	task.clear_ibuf [dreg:s6], $0x5FFFF;
	_ =	strace $0x90000049  }
0xb2: {  	s29 =	simm.s32 $0x9;
	_ =	strace $0x8000004B  }
0xb3: {  	_ =	swait.ge [sflag:s29], $0x1  }
0xb4: {  	[sflag:s29] =	ssyncadd.s32 $0xFFFFFFFF  }
0xb5: {  	_ =	strace $0x9000004B  }
0xb6: {  	_ =	sfence  }
0xb7: {  	s30 =	sld [smem:$0x0];
	_ =	sdelay $0x2  }
0xb8: {  	s31 =	sshll.u32 s1, $0xD;
	s1 =	sshrl.u32 s1, $0x2  }
0xb9: {  	s3 =	sand.u32 $0x4000, s31;
	s1 =	sadd.s32 s1, s30  }
0xba: {  	s0 =	sor.u32 s3, s0;
	s1 =	sshll.u32 s1, $0x11  }
0xbb: {  	s0 =	sor.u32 s1, s0  }
0xbc: {  	s0 =	sadd.s32 $0x8F2B, s0  }
0xbd: {  	[sflag:s0] =	ssyncadd.remote.s32 $0x1  }
0xbe: {  	_ =	sfence.sel $0xFFFF  }
0xbf: {  	[dreg:$0x0] =	wrdreg $0xFFFFFFFF;
	(pc) =	sbr.abs _section_cstart, $3  }
0xc0: {  	[dreg:$0x1] =	wrdreg $0xFFFFFFFF  }
0xc1: {  	_ =	task.clear_ibuf [dreg:s6], $0x2FFFF;
	_ =	strace $0x9FFFFFFF  }
0xc2: {  	(tm) =	ssettm $0x7FFFFFFF  }
0xc3: {  	_ =	shalt  }
tec
execute0_lowered:
.L_overlay_start_1:
0x0: {  	(tag) =	ssettag $0x1  }
0x1: {  	s6 =	rddreg [dreg:$0x0]  }
0x2: {  	s1 =	rddreg [dreg:$0x1];
	s2 =	srdreg.scid  }
0x3: {  	s3 =	simm.s32 $0x0;
	s16 =	simm.s32 $0x80;
	s17 =	simm.s32 $0x400  }
0x4: {  	s18 =	simm.s32 $0x100;
	s19 =	simm.s32 $0x4400;
	s20 =	simm.s32 $0x3  }
0x5: {  	s28 =	simm.s32 $0x380;
	s7 =	sand.u32 $0x1, s2;
	s2 =	stileid.u32  }
0x6: {  	s29 =	simm.s32 $0x0;
	[smem:$0x7FF] =	sst s3;
	s8 =	smul.u32 $0x13C000, s7  }
0x7: {  	s12 =	sadd.s32 $0x2C00, s6;
	s4 =	sadd.s32 $0x68400, s6;
	s9 =	smul.u32 $0x13C00, s2  }
0x8: {  	s5 =	sadd.s32 $0x16C00, s6;
	_ =	strace $0x8000004A;
	s11 =	smul.u32 $0x4F000, s2  }
0x9: {  	s21 =	sshll.u32 s2, $0x1;
	s10 =	ssub.s32 $0x2, s7;
	s22 =	smul.u32 $0xA000, s2  }
0xa: {  	s25 =	smul.u32 $0x5000, s7;
	s26 =	sshll.u32 s2, $0x6;
	s13 =	sshrl.u32 s10, $0x1  }
0xb: {  	s8 =	sadd.s32 s9, s8;
	s9 =	sor.u32 s7, s21;
	s10 =	ssub.s32 s10, s13  }
0xc: {  	s23 =	sshrl.u32 s11, $0x2;
	s7 =	sor.u32 $0x1C05, s26;
	s30 =	sadd.s32 s25, s22  }
0xd: {  	s21 =	simm.s32 $0x2;
	s22 =	simm.s32 $0x4;
	s25 =	simm.s32 $0x280  }
0xe: {  	s26 =	simm.s32 $0x1;
	s8 =	sshrl.u32 s8, $0x3;
	s9 =	smul.u32 $0x5000, s9  }
0xf: {  	s15 =	sadd.s32 s23, s1;
	s13 =	sor.u32 $0x600, s30;
	s11 =	sor.u32 $0x400, s30  }
0x10: {  	s10 =	smax.u32 s10, $0x1;
	s23 =	simm.s32 $0x180;
	s14 =	sadd.s32 s8, s6  }
0x11: {  	s13 =	sshrl.u32 s13, $0x3;
	s31 =	sshrl.u32 s11, $0x3;
	s24 =	sshrl.u32 s9, $0x3  }
0x12: {  	s9 =	sadd.s32 $0x8F600, s14;
	s11 =	sadd.s32 s13, s12;
	s13 =	sshrl.u32 s15, $0x3  }
0x13: {  	s14 =	simm.s32 $0x5;
	s15 =	simm.s32 $0x200;
	s6 =	sadd.s32 s12, s24  }
0x14: {  	s12 =	sadd.s32 s31, s12;
	s24 =	simm.s32 $0x300;
	s8 =	sadd.s32 $0x40, s6  }
.LBB2_1:
0x15: {  	[spmem:s13], [sflag:s7] =	dma.local [hbm:s5], $0x2780  }
0x16: {  	_ =	swait.ge [sflag:s14], $0x2780  }
0x17: {  	[sflag:s14] =	ssyncset.done $0x0  }
0x18: {  	[sflag:s14] =	ssyncadd.s32 $0xFFFFD880  }
0x19: {  	[bflag:$0x0] =	sbarrier.arrive $0xFFFF  }
0x1a: {  	[tilespmem:s3], [sflag:$0x5] =	stream.linear.gather [hbm4b:s6+s3], $0x200, $0x38;
	[tilespmem:$0x1C000] =	vst v63  }
0x1b: {  	_ =	swait.ge [sflag:s14], $0x200  }
0x1c: {  	[sflag:s14] =	ssyncset.done $0x0  }
0x1d: {  	[sflag:s14] =	ssyncadd.s32 $0xFFFFFE00  }
0x1e: {  	[tilespmem:s15], [sflag:$0x2] =	stream.linear.gather [hbm4b:s8+s3], $0x200, $0x38;
	[tilespmem:$0x1C000] =	vst v63  }
0x1f: {  	_ = 	snop  }
0x20: {  	[tilespmem:s17], [sflag:$0x3] =	stream.indirect.gather [hbm4b:s4+s16], $0x80, s3, s16, $0xb8;
	[tilespmem:$0x1C000] =	vst v63  }
0x21: {  	_ = 	snop  }
0x22: {  	[tilespmem:s19], [sflag:$0x4] =	stream.indirect.gather [hbm4b:s4+s16], $0x80, s18, s16, $0xb8;
	[tilespmem:$0x1C000] =	vst v63  }
0x23: {  	_ =	swait.ge [sflag:s20], $0x4000  }
0x24: {  	[sflag:s20] =	ssyncset.done $0x0  }
0x25: {  	[sflag:s20] =	ssyncadd.s32 $0xFFFFC000  }
0x26: {  	[spmem:s1] =	stream.indirect.scatter.add.f32 [tilespmem:s17], [sflag:$0x5], $0x80, s16, s16, $0xb8;
	[tilespmem:$0x1C000] =	vst v63  }
0x27: {  	_ =	swait.ge [sflag:s14], $0x4000  }
0x28: {  	[sflag:s14] =	ssyncset.done $0x0  }
0x29: {  	[sflag:s14] =	ssyncadd.s32 $0xFFFFC000  }
0x2a: {  	_ =	swait.ge [sflag:s21], $0x200  }
0x2b: {  	[sflag:s21] =	ssyncset.done $0x0  }
0x2c: {  	[sflag:s21] =	ssyncadd.s32 $0xFFFFFE00  }
0x2d: {  	[tilespmem:s17], [sflag:$0x3] =	stream.indirect.gather [hbm4b:s4+s16], $0x80, s15, s16, $0xb8;
	[tilespmem:$0x1C000] =	vst v63  }
0x2e: {  	_ =	swait.ge [sflag:s22], $0x4000  }
0x2f: {  	[sflag:s22] =	ssyncset.done $0x0  }
0x30: {  	[sflag:s22] =	ssyncadd.s32 $0xFFFFC000  }
0x31: {  	[spmem:s1] =	stream.indirect.scatter.add.f32 [tilespmem:s19], [sflag:$0x5], $0x80, s23, s16, $0xb8;
	[tilespmem:$0x1C000] =	vst v63  }
0x32: {  	_ =	swait.ge [sflag:s14], $0x4000  }
0x33: {  	[sflag:s14] =	ssyncset.done $0x0  }
0x34: {  	s30 =	sadd.s32 $0x0, s12;
	[sflag:s14] =	ssyncadd.s32 $0xFFFFC000  }
0x35: {  	[tilespmem:s3], [sflag:$0x1] =	stream.linear.gather [hbm4b:s30+s3], $0x200, $0x38;
	[tilespmem:$0x1C000] =	vst v63  }
0x36: {  	_ = 	snop  }
0x37: {  	[tilespmem:s19], [sflag:$0x4] =	stream.indirect.gather [hbm4b:s4+s16], $0x80, s24, s16, $0xb8;
	[tilespmem:$0x1C000] =	vst v63  }
0x38: {  	_ =	swait.ge [sflag:s20], $0x4000  }
0x39: {  	[sflag:s20] =	ssyncset.done $0x0  }
0x3a: {  	[sflag:s20] =	ssyncadd.s32 $0xFFFFC000  }
0x3b: {  	[spmem:s1] =	stream.indirect.scatter.add.f32 [tilespmem:s17], [sflag:$0x5], $0x80, s25, s16, $0xb8;
	[tilespmem:$0x1C000] =	vst v63  }
0x3c: {  	_ =	swait.ge [sflag:s14], $0x4000  }
0x3d: {  	[sflag:s14] =	ssyncset.done $0x0  }
0x3e: {  	[sflag:s14] =	ssyncadd.s32 $0xFFFFC000  }
0x3f: {  	_ =	swait.ge [sflag:s26], $0x200  }
0x40: {  	[sflag:s26] =	ssyncset.done $0x0  }
0x41: {  	[sflag:s26] =	ssyncadd.s32 $0xFFFFFE00  }
0x42: {  	[tilespmem:s17], [sflag:$0x3] =	stream.indirect.gather [hbm4b:s4+s16], $0x80, s3, s16, $0xb8;
	[tilespmem:$0x1C000] =	vst v63  }
0x43: {  	_ =	swait.ge [sflag:s22], $0x4000  }
0x44: {  	[sflag:s22] =	ssyncset.done $0x0  }
0x45: {  	[sflag:s22] =	ssyncadd.s32 $0xFFFFC000  }
0x46: {  	[spmem:s1] =	stream.indirect.scatter.add.f32 [tilespmem:s19], [sflag:$0x5], $0x80, s28, s16, $0xb8;
	[tilespmem:$0x1C000] =	vst v63  }
0x47: {  	_ =	swait.ge [sflag:s14], $0x4000  }
0x48: {  	[sflag:s14] =	ssyncset.done $0x0  }
0x49: {  	s31 =	sadd.s32 $0x0, s11;
	s30 =	simm.s32 $0x80;
	[sflag:s14] =	ssyncadd.s32 $0xFFFFC000  }
.LBB2_2:
0x4a: {  	[tilespmem:s15], [sflag:$0x2] =	stream.linear.gather [hbm4b:s31+s3], $0x200, $0x38;
	[tilespmem:$0x1C000] =	vst v63  }
0x4b: {  	p0 =	sne.s32 s30, $0x900;
	s31 =	smov.u32 s30;
	s30 =	sadd.s32 $0x80, s30  }
0x4c: {  	[tilespmem:s19], [sflag:$0x4] =	stream.indirect.gather [hbm4b:s4+s16], $0x80, s18, s16, $0xb8;
	[tilespmem:$0x1C000] =	vst v63  }
0x4d: {  	_ =	swait.ge [sflag:s20], $0x4000  }
0x4e: {  	[sflag:s20] =	ssyncset.done $0x0  }
0x4f: {  	[sflag:s20] =	ssyncadd.s32 $0xFFFFC000  }
0x50: {  	[spmem:s1] =	stream.indirect.scatter.add.f32 [tilespmem:s17], [sflag:$0x5], $0x80, s16, s16, $0xb8;
	[tilespmem:$0x1C000] =	vst v63  }
0x51: {  	_ =	swait.ge [sflag:s14], $0x4000  }
0x52: {  	[sflag:s14] =	ssyncset.done $0x0  }
0x53: {  	[sflag:s14] =	ssyncadd.s32 $0xFFFFC000  }
0x54: {  	_ =	swait.ge [sflag:s21], $0x200  }
0x55: {  	[sflag:s21] =	ssyncset.done $0x0  }
0x56: {  	[sflag:s21] =	ssyncadd.s32 $0xFFFFFE00  }
0x57: {  	[tilespmem:s17], [sflag:$0x3] =	stream.indirect.gather [hbm4b:s4+s16], $0x80, s15, s16, $0xb8;
	[tilespmem:$0x1C000] =	vst v63  }
0x58: {  	_ =	swait.ge [sflag:s22], $0x4000  }
0x59: {  	[sflag:s22] =	ssyncset.done $0x0  }
0x5a: {  	[sflag:s22] =	ssyncadd.s32 $0xFFFFC000  }
0x5b: {  	[spmem:s1] =	stream.indirect.scatter.add.f32 [tilespmem:s19], [sflag:$0x5], $0x80, s23, s16, $0xb8;
	[tilespmem:$0x1C000] =	vst v63  }
0x5c: {  	_ =	swait.ge [sflag:s14], $0x4000  }
0x5d: {  	[sflag:s14] =	ssyncset.done $0x0  }
0x5e: {  	s0 =	sadd.s32 s31, s12;
	[sflag:s14] =	ssyncadd.s32 $0xFFFFC000  }
0x5f: {  	[tilespmem:s3], [sflag:$0x1] =	stream.linear.gather [hbm4b:s0+s3], $0x200, $0x38;
	[tilespmem:$0x1C000] =	vst v63  }
0x60: {  	_ = 	snop  }
0x61: {  	[tilespmem:s19], [sflag:$0x4] =	stream.indirect.gather [hbm4b:s4+s16], $0x80, s24, s16, $0xb8;
	[tilespmem:$0x1C000] =	vst v63  }
0x62: {  	_ =	swait.ge [sflag:s20], $0x4000  }
0x63: {  	[sflag:s20] =	ssyncset.done $0x0  }
0x64: {  	[sflag:s20] =	ssyncadd.s32 $0xFFFFC000  }
0x65: {  	[spmem:s1] =	stream.indirect.scatter.add.f32 [tilespmem:s17], [sflag:$0x5], $0x80, s25, s16, $0xb8;
	[tilespmem:$0x1C000] =	vst v63  }
0x66: {  	_ =	swait.ge [sflag:s14], $0x4000  }
0x67: {  	[sflag:s14] =	ssyncset.done $0x0  }
0x68: {  	[sflag:s14] =	ssyncadd.s32 $0xFFFFC000  }
0x69: {  	_ =	swait.ge [sflag:s26], $0x200  }
0x6a: {  	[sflag:s26] =	ssyncset.done $0x0  }
0x6b: {  	[sflag:s26] =	ssyncadd.s32 $0xFFFFFE00  }
0x6c: {  	[tilespmem:s17], [sflag:$0x3] =	stream.indirect.gather [hbm4b:s4+s16], $0x80, s3, s16, $0xb8;
	[tilespmem:$0x1C000] =	vst v63  }
0x6d: {  	_ =	swait.ge [sflag:s22], $0x4000  }
0x6e: {  	[sflag:s22] =	ssyncset.done $0x0  }
.Ltmp0:
0x6f: {  	[sflag:s22] =	ssyncadd.s32 $0xFFFFC000;
	(pc) =	sbr.rel @p0 .LBB2_2-.Ltmp0, $4  }
0x70: {  	[spmem:s1] =	stream.indirect.scatter.add.f32 [tilespmem:s19], [sflag:$0x5], $0x80, s28, s16, $0xb8;
	[tilespmem:$0x1C000] =	vst v63  }
0x71: {  	_ =	swait.ge [sflag:s14], $0x4000  }
0x72: {  	[sflag:s14] =	ssyncset.done $0x0  }
0x73: {  	s31 =	sadd.s32 s31, s11;
	[sflag:s14] =	ssyncadd.s32 $0xFFFFC000  }
0x74: {  	[tilespmem:s15], [sflag:$0x2] =	stream.linear.gather [hbm4b:s31+s3], $0x200, $0x38;
	[tilespmem:$0x1C000] =	vst v63  }
0x75: {  	_ = 	snop  }
0x76: {  	[tilespmem:s19], [sflag:$0x4] =	stream.indirect.gather [hbm4b:s4+s16], $0x80, s18, s16, $0xb8;
	[tilespmem:$0x1C000] =	vst v63  }
0x77: {  	_ =	swait.ge [sflag:s20], $0x4000  }
0x78: {  	[sflag:s20] =	ssyncset.done $0x0  }
0x79: {  	[sflag:s20] =	ssyncadd.s32 $0xFFFFC000  }
0x7a: {  	[spmem:s1] =	stream.indirect.scatter.add.f32 [tilespmem:s17], [sflag:$0x5], $0x80, s16, s16, $0xb8;
	[tilespmem:$0x1C000] =	vst v63  }
0x7b: {  	_ =	swait.ge [sflag:s14], $0x4000  }
0x7c: {  	[sflag:s14] =	ssyncset.done $0x0  }
0x7d: {  	[sflag:s14] =	ssyncadd.s32 $0xFFFFC000  }
0x7e: {  	_ =	swait.ge [sflag:s21], $0x200  }
0x7f: {  	[sflag:s21] =	ssyncset.done $0x0  }
0x80: {  	[sflag:s21] =	ssyncadd.s32 $0xFFFFFE00  }
0x81: {  	[tilespmem:s17], [sflag:$0x3] =	stream.indirect.gather [hbm4b:s4+s16], $0x80, s15, s16, $0xb8;
	[tilespmem:$0x1C000] =	vst v63  }
0x82: {  	_ =	swait.ge [sflag:s22], $0x4000  }
0x83: {  	[sflag:s22] =	ssyncset.done $0x0  }
0x84: {  	[sflag:s22] =	ssyncadd.s32 $0xFFFFC000  }
0x85: {  	[spmem:s1] =	stream.indirect.scatter.add.f32 [tilespmem:s19], [sflag:$0x5], $0x80, s23, s16, $0xb8;
	[tilespmem:$0x1C000] =	vst v63  }
0x86: {  	_ =	swait.ge [sflag:s14], $0x4000  }
0x87: {  	[sflag:s14] =	ssyncset.done $0x0  }
0x88: {  	[sflag:s14] =	ssyncadd.s32 $0xFFFFC000  }
0x89: {  	[tilespmem:s19], [sflag:$0x4] =	stream.indirect.gather [hbm4b:s4+s16], $0x80, s24, s16, $0xb8;
	[tilespmem:$0x1C000] =	vst v63  }
0x8a: {  	_ =	swait.ge [sflag:s20], $0x4000  }
0x8b: {  	[sflag:s20] =	ssyncset.done $0x0  }
0x8c: {  	[sflag:s20] =	ssyncadd.s32 $0xFFFFC000  }
0x8d: {  	[spmem:s1] =	stream.indirect.scatter.add.f32 [tilespmem:s17], [sflag:$0x5], $0x80, s25, s16, $0xb8;
	[tilespmem:$0x1C000] =	vst v63  }
0x8e: {  	_ =	swait.ge [sflag:s14], $0x4000  }
0x8f: {  	[sflag:s14] =	ssyncset.done $0x0  }
0x90: {  	[sflag:s14] =	ssyncadd.s32 $0xFFFFC000  }
0x91: {  	_ =	swait.ge [sflag:s22], $0x4000  }
0x92: {  	[sflag:s22] =	ssyncset.done $0x0  }
0x93: {  	[sflag:s22] =	ssyncadd.s32 $0xFFFFC000  }
0x94: {  	[spmem:s1] =	stream.indirect.scatter.add.f32 [tilespmem:s19], [sflag:$0x5], $0x80, s28, s16, $0xb8;
	[tilespmem:$0x1C000] =	vst v63  }
0x95: {  	_ =	swait.ge [sflag:s14], $0x4000  }
0x96: {  	s29 =	sadd.s32 $0x1, s29;
	[sflag:s14] =	ssyncset.done $0x0  }
0x97: {  	p0 =	sne.s32 s29, s10;
	[sflag:s14] =	ssyncadd.s32 $0xFFFFC000  }
.Ltmp1:
0x98: {  	[bflag:$0x0] =	sbarrier.arrive $0xFFFF;
	(pc) =	sbr.rel @p0 .LBB2_1-.Ltmp1, $4  }
0x99: {  	[hbm:s9], [sflag:s7] =	dma.local [spmem:s13], $0x2780  }
0x9a: {  	_ =	swait.ge [sflag:s14], $0x2780  }
0x9b: {  	[sflag:s14] =	ssyncset.done $0x0  }
0x9c: {  	[sflag:s14] =	ssyncadd.s32 $0xFFFFD880  }
0x9d: {  	_ =	sfence.sel $0x180000  }
0x9e: {  	[bflag:$0x0] =	sbarrier.arrive $0xFFFF  }
0x9f: {  	_ =	strace $0x9000004A  }
0xa0: {  	[bflag:$0x2] =	sbarrier.arrive $0xFFFF  }
0xa1: {  	p0 =	sne.s32 s2, $0x0;
	s0 =	rddreg [dreg:$0x2]  }
0xa2: {  	s0 =	sadd.s32 @!p0 $0x100000, s0  }
0xa3: {  	[sflag:s0] =	ssyncadd.tile.s32 @!p0 $0x1;
	_ =	shalt  }
.Lfunc_end2:
_tile_overlayer_lowered:
.L_overlay_start_2:
0xa4: {  	(tag) =	ssettag $0x2  }
0xa5: {  	s0 =	rddreg [dreg:$0x0];
	s2 =	stileid.u32  }
0xa6: {  	s1 =	rddreg [dreg:$0x1];
	p0 =	sne.s32 s2, $0x0  }
0xa7: {  	s3 =	rddreg [dreg:$0x2];
	[bflag:$0x3] =	sbarrier.arrive $0xFFFF;
	s2 =	simm.s32 @!p0 $0x1C05  }
0xa8: {  	[timem:s3], [sflag:s2] =	dma.local @!p0 [hbm:s0], s1  }
0xa9: {  	s0 =	simm.s32 @!p0 $0x5  }
0xaa: {  	_ =	swait.ge @!p0 [sflag:s0], s1  }
0xab: {  	s1 =	ssub.s32 @!p0 $0x0, s1;
	[sflag:s0] =	ssyncset.done @!p0 $0x0  }
0xac: {  	[sflag:s0] =	ssyncadd.s32 @!p0 s1  }
0xad: {  	[bflag:$0x3] =	sbarrier.arrive $0xFFFF  }
0xae: {  	_ =	shalt  }

// kernel: kernel.14.cloned.1.call-start
scs
__scs_entry_jumppad:
0x0: {  	(pc) =	sbr.rel $0x88, $3  }
0x1: {  	(tag) =	ssettag $0x0;
	lr =	simm.s32 $0x1  }
0x2: {  	[smem:$0x3F98] =	sst lr;
	_ =	strace $0xD0000000  }
0x3: {  	_ = 	snop  }
0x4: {  	_ = 	snop  }
0x5: {  	_ = 	snop  }
0x6: {  	_ = 	snop  }
0x7: {  	_ = 	snop  }
__scs_overlays_trampoline_lowered:
0x8: {  	[smem:$0x3FA7] =	sst s0  }
0x9: {  	[smem:$0x3FA8] =	sst s1  }
0xa: {  	[smem:$0x3FA9] =	sst s2  }
0xb: {  	[smem:$0x3FAA] =	sst s3  }
0xc: {  	[smem:$0x3FAB] =	sst s4  }
0xd: {  	[smem:$0x3FAC] =	sst s5  }
0xe: {  	[smem:$0x3FAD] =	sst s6  }
0xf: {  	[smem:$0x3FAE] =	sst s7  }
0x10: {  	[smem:$0x3FAF] =	sst s8  }
0x11: {  	[smem:$0x3FB0] =	sst s9;
	s0 =	simm.s32 @!p0 $0x0  }
0x12: {  	s1 =	sld [smem:$0x3F96];
	s0 =	simm.s32 @p0 $0x1  }
0x13: {  	[smem:$0x3FB1] =	sst s0;
	s0 =	simm.s32 @!p1 $0x0  }
0x14: {  	s2 =	sld [smem:$0x3F95];
	s0 =	simm.s32 @p1 $0x1  }
0x15: {  	[smem:$0x3FB2] =	sst s0;
	s0 =	simm.s32 @!p2 $0x0  }
0x16: {  	s3 =	sld [smem:$0x3FDB];
	s0 =	simm.s32 @p2 $0x1  }
0x17: {  	s4 =	simm.s32 $0x1BF5;
	[smem:$0x3FB4] =	sst s0  }
0x18: {  	s0 =	sld [smem:$0x3F97];
	_ =	swait.ge [sflag:s4], $0x0  }
0x19: {  	s7 =	sld [smem:$0x3F98]  }
0x1a: {  	s8 =	sadd.s32 $0xFFFFE003, lr  }
0x1b: {  	s9 =	sadd.s32 $0xFFFFFEF7, lr;
	s5 =	simm.s32 $0xFFFFFFFF;
	p2 =	slt.u32 s8, $0xFFFFF086  }
0x1c: {  	p1 =	slt.u32 s9, $0xF7A;
	s5 =	simm.s32 @!p2 $0x0  }
0x1d: {  	s5 =	simm.s32 @p1 $0x1;
	p0 =	seq.s32 s7, s2  }
0x1e: {  	s7 =	smul.u32 @!p0 $0xF7A, s2;
	p2 =	seq.s32 @!p0 s5, $0x0  }
0x1f: {  	s9 =	smul.u32 $0xF7A, s1;
	s8 =	simm.s32 @!p0 $0x1BF5;
	p2 =	por !p2, p0  }
0x20: {  	[sflag:s8] =	ssyncset.s32 @!p0 $0xFFFFF086;
	s6 =	sadd.s32 @!p0 s3, s7;
	s7 =	simm.s32 @!p0 $0x108  }
0x21: {  	s3 =	sadd.s32 s3, s9;
	s6 =	sadd.s32 @!p0 $0x88, s6;
	s7 =	simm.s32 @p2 $0x1082  }
0x22: {  	[simem:s7], [sflag:s8] =	dma.local @!p0 [hbm:s6], $0xF7A  }
0x23: {  	s9 =	sor.u32 $0xD0000000, s2;
	s6 =	simm.s32 $0x108;
	_ =	swait.ge @!p0 [sflag:s8], $0x0  }
0x24: {  	s3 =	sadd.s32 $0x88, s3;
	s6 =	simm.s32 @!p1 $0x1082;
	[sflag:s4] =	ssyncset.s32 $0xFFFFF086  }
0x25: {  	[simem:s6], [sflag:s4] =	dma.local [hbm:s3], $0xF7A  }
0x26: {  	[smem:$0x3F98] =	sst s1;
	(tag) =	ssettag s2;
	_ =	strace s9  }
0x27: {  	s1 =	sld [smem:$0x3FA8]  }
0x28: {  	s2 =	sld [smem:$0x3FA9]  }
0x29: {  	s4 =	sld [smem:$0x3FAB]  }
0x2a: {  	p0 =	seq.s32 s5, $0x0;
	s5 =	sld [smem:$0x3FAC]  }
0x2b: {  	s6 =	sld [smem:$0x3FAD]  }
0x2c: {  	s7 =	sld [smem:$0x3FAE]  }
0x2d: {  	s3 =	simm.s32 $0x108;
	s8 =	sld [smem:$0x3FAF]  }
0x2e: {  	s3 =	simm.s32 @!p0 $0x1082;
	s9 =	sld [smem:$0x3FB0]  }
0x2f: {  	lr =	sadd.s32 s0, s3;
	s0 =	sld [smem:$0x3FA7]  }
0x30: {  	s3 =	sld [smem:$0x3FAA]  }
0x31: {  	[smem:$0x3FB3] =	sst s10  }
0x32: {  	s10 =	sld [smem:$0x3FB1];
	_ =	sdelay $0x3  }
0x33: {  	p0 =	seq.s32 s10, $0x1;
	s10 =	sld [smem:$0x3FB3];
	_ =	sdelay $0x3  }
0x34: {  	[smem:$0x3FB3] =	sst s10  }
0x35: {  	s10 =	sld [smem:$0x3FB2];
	_ =	sdelay $0x3  }
0x36: {  	p1 =	seq.s32 s10, $0x1;
	s10 =	sld [smem:$0x3FB3];
	_ =	sdelay $0x3  }
0x37: {  	[smem:$0x3FB3] =	sst s10  }
0x38: {  	s10 =	sld [smem:$0x3FB4]  }
0x39: {  	_ = 	snop;
	(pc) =	sbr.ind lr, $3  }
0x3a: {  	_ = 	snop  }
0x3b: {  	_ = 	snop  }
0x3c: {  	p2 =	seq.s32 s10, $0x1;
	s10 =	sld [smem:$0x3FB3]  }
0x3d: {  	_ =	shalt  }
0x3e: {  	_ =	shalt  }
0x3f: {  	_ =	shalt  }
0x40: {  	_ =	shalt  }
0x41: {  	_ =	shalt  }
0x42: {  	_ =	shalt  }
0x43: {  	_ =	shalt  }
0x44: {  	_ =	shalt  }
0x45: {  	_ =	shalt  }
0x46: {  	_ =	shalt  }
0x47: {  	_ =	shalt  }
0x48: {  	_ =	shalt  }
0x49: {  	_ =	shalt  }
0x4a: {  	_ =	shalt  }
0x4b: {  	_ =	shalt  }
0x4c: {  	_ =	shalt  }
0x4d: {  	_ =	shalt  }
0x4e: {  	_ =	shalt  }
0x4f: {  	_ =	shalt  }
0x50: {  	_ =	shalt  }
0x51: {  	_ =	shalt  }
0x52: {  	_ =	shalt  }
0x53: {  	_ =	shalt  }
0x54: {  	_ =	shalt  }
0x55: {  	_ =	shalt  }
0x56: {  	_ =	shalt  }
0x57: {  	_ =	shalt  }
0x58: {  	_ =	shalt  }
0x59: {  	_ =	shalt  }
0x5a: {  	_ =	shalt  }
0x5b: {  	_ =	shalt  }
0x5c: {  	_ =	shalt  }
0x5d: {  	_ =	shalt  }
0x5e: {  	_ =	shalt  }
0x5f: {  	_ =	shalt  }
0x60: {  	_ =	shalt  }
0x61: {  	_ =	shalt  }
0x62: {  	_ =	shalt  }
0x63: {  	_ =	shalt  }
0x64: {  	_ =	shalt  }
0x65: {  	_ =	shalt  }
0x66: {  	_ =	shalt  }
0x67: {  	_ =	shalt  }
0x68: {  	_ =	shalt  }
0x69: {  	_ =	shalt  }
0x6a: {  	_ =	shalt  }
0x6b: {  	_ =	shalt  }
0x6c: {  	_ =	shalt  }
0x6d: {  	_ =	shalt  }
0x6e: {  	_ =	shalt  }
0x6f: {  	_ =	shalt  }
0x70: {  	_ =	shalt  }
0x71: {  	_ =	shalt  }
0x72: {  	_ =	shalt  }
0x73: {  	_ =	shalt  }
0x74: {  	_ =	shalt  }
0x75: {  	_ =	shalt  }
0x76: {  	_ =	shalt  }
0x77: {  	_ =	shalt  }
0x78: {  	_ =	shalt  }
0x79: {  	_ =	shalt  }
0x7a: {  	_ =	shalt  }
0x7b: {  	_ =	shalt  }
0x7c: {  	_ =	shalt  }
0x7d: {  	_ =	shalt  }
0x7e: {  	_ =	shalt  }
0x7f: {  	_ =	shalt  }
0x80: {  	_ =	shalt  }
0x81: {  	_ =	shalt  }
0x82: {  	_ =	shalt  }
0x83: {  	_ =	shalt  }
0x84: {  	_ =	shalt  }
0x85: {  	_ =	shalt  }
0x86: {  	_ =	shalt  }
0x87: {  	_ =	shalt  }
.Lfunc_end0:
.L_simem_size_0:
called_computation.2_lowered:
.L_overlay_start_0:
0x88: {  	s2 =	sld [smem:$0x3FD9]  }
0x89: {  	s3 =	sld [smem:$0x3FFE];
	_ =	sdelay $0x1  }
0x8a: {  	s1 =	srdreg.scid  }
0x8b: {  	s0 =	sand.u32 $0x1, s1  }
0x8c: {  	s16 =	sshll.u32 s0, $0xA;
	s2 =	sadd.s32 s3, s2  }
0x8d: {  	s2 =	sadd.s32 s2, s16  }
0x8e: {  	[smem:$0x3FBF] =	sst s2  }
0x8f: {  	_ = 	snop  }
0x90: {  	(tm) =	ssettm $0x1  }
0x91: {  	s17 =	sld [smem:$0x3FFB];
	_ =	sdelay $0x3  }
0x92: {  	_ =	strace s17  }
0x93: {  	s2 =	sld [smem:$0x3FFC];
	_ =	sdelay $0x3  }
0x94: {  	_ =	strace s2  }
0x95: {  	s2 =	sld [smem:$0x3FFD];
	_ =	sdelay $0x3  }
0x96: {  	_ =	strace s2  }
0x97: {  	_ =	strace $0x8FFFFFFF  }
0x98: {  	s18 =	sld [smem:$0x3FDB];
	_ =	sdelay $0x1  }
0x99: {  	s19 =	simm.s32 $_scs_section_size  }
0x9a: {  	s4 =	simm.s32 $_size__tile_overlayer_lowered;
	s5 =	simm.s32 $_tile_overlayer_lowered  }
0x9b: {  	s22 =	simm.s32 $0x1BFF;
	s21 =	sshll.u32 s5, $0x1;
	s2 =	sadd.s32 s19, s18  }
0x9c: {  	s6 =	simm.s32 $0x0;
	s20 =	sshll.u32 s4, $0x1;
	s4 =	sadd.s32 s21, s2  }
0x9d: {  	[timem:s6], [sflag:s22] =	dma.local [hbm:s4], s20  }
0x9e: {  	_ =	swait.ge [sflag:s22], s20  }
0x9f: {  	s3 =	ssub.s32 $0x0, s20;
	[sflag:s22] =	ssyncset.done $0x0  }
0xa0: {  	[sflag:s22] =	ssyncadd.s32 s3;
	_ =	sdelay $0x1  }
0xa1: {  	s23 =	simm.s32 $0x1B8B  }
0xa2: {  	_ =	swait.ge [sflag:s23], $0x1  }
0xa3: {  	[sflag:s23] =	ssyncset.done $0x0  }
0xa4: {  	s25 =	simm.s32 $0x1B8E;
	s24 =	sld [smem:$0x3FFE];
	[sflag:s23] =	ssyncadd.s32 $0xFFFFFFFF  }
0xa5: {  	s26 =	simm.s32 $execute0_lowered;
	[smem:$0x3FD2] =	sst s25  }
0xa6: {  	s4 =	sshll.u32 s26, $0x1;
	_ =	strace $0x8000004C;
	[dreg:$0x1] =	wrdreg $0xFFFFFFFF  }
0xa7: {  	s28 =	simm.s32 $_size_execute0_lowered;
	s2 =	sadd.s32 s2, s4;
	[dreg:$0x0] =	wrdreg $0x0  }
0xa8: {  	s4 =	sshll.u32 s28, $0x1;
	[dreg:$0x2] =	wrdreg s2  }
0xa9: {  	[dreg:$0x3] =	wrdreg s4  }
0xaa: {  	[dreg:$0x4] =	wrdreg $0xC0  }
0xab: {  	_ =	task [dreg:s6], $0x5FFFF  }
0xac: {  	[dreg:$0x1] =	wrdreg $0xFFFFFFFF  }
0xad: {  	[dreg:$0x0] =	wrdreg $0x60  }
0xae: {  	[dreg:$0x2] =	wrdreg s24  }
0xaf: {  	[dreg:$0x3] =	wrdreg $0x84000  }
0xb0: {  	[dreg:$0x4] =	wrdreg $0x9  }
0xb1: {  	_ =	task.clear_ibuf [dreg:s6], $0x5FFFF;
	_ =	strace $0x9000004C  }
0xb2: {  	s29 =	simm.s32 $0x9;
	_ =	strace $0x8000004E  }
0xb3: {  	_ =	swait.ge [sflag:s29], $0x1  }
0xb4: {  	[sflag:s29] =	ssyncadd.s32 $0xFFFFFFFF  }
0xb5: {  	_ =	strace $0x9000004E  }
0xb6: {  	_ =	sfence  }
0xb7: {  	s30 =	sld [smem:$0x0];
	_ =	sdelay $0x2  }
0xb8: {  	s31 =	sshll.u32 s1, $0xD;
	s1 =	sshrl.u32 s1, $0x2  }
0xb9: {  	s3 =	sand.u32 $0x4000, s31;
	s1 =	sadd.s32 s1, s30  }
0xba: {  	s0 =	sor.u32 s3, s0;
	s1 =	sshll.u32 s1, $0x11  }
0xbb: {  	s0 =	sor.u32 s1, s0  }
0xbc: {  	s0 =	sadd.s32 $0x8F2B, s0  }
0xbd: {  	[sflag:s0] =	ssyncadd.remote.s32 $0x1  }
0xbe: {  	_ =	sfence.sel $0xFFFF  }
0xbf: {  	[dreg:$0x0] =	wrdreg $0xFFFFFFFF;
	(pc) =	sbr.abs _section_cstart, $3  }
0xc0: {  	[dreg:$0x1] =	wrdreg $0xFFFFFFFF  }
0xc1: {  	_ =	task.clear_ibuf [dreg:s6], $0x2FFFF;
	_ =	strace $0x9FFFFFFF  }
0xc2: {  	(tm) =	ssettm $0x7FFFFFFF  }
0xc3: {  	_ =	shalt  }
tec
execute0_lowered:
.L_overlay_start_1:
0x0: {  	(tag) =	ssettag $0x1  }
0x1: {  	s6 =	rddreg [dreg:$0x0]  }
0x2: {  	s1 =	rddreg [dreg:$0x1];
	s2 =	srdreg.scid  }
0x3: {  	s3 =	simm.s32 $0x0;
	s16 =	simm.s32 $0x80;
	s17 =	simm.s32 $0x400  }
0x4: {  	s18 =	simm.s32 $0x100;
	s19 =	simm.s32 $0x4400;
	s20 =	simm.s32 $0x3  }
0x5: {  	s28 =	simm.s32 $0x380;
	s7 =	sand.u32 $0x1, s2;
	s2 =	stileid.u32  }
0x6: {  	s29 =	simm.s32 $0x0;
	[smem:$0x7FF] =	sst s3;
	s8 =	smul.u32 $0x13C000, s7  }
0x7: {  	s12 =	sadd.s32 $0x2C00, s6;
	s4 =	sadd.s32 $0x68400, s6;
	s9 =	smul.u32 $0x13C00, s2  }
0x8: {  	s5 =	sadd.s32 $0x16C00, s6;
	_ =	strace $0x8000004D;
	s11 =	smul.u32 $0x4F000, s2  }
0x9: {  	s21 =	sshll.u32 s2, $0x1;
	s10 =	ssub.s32 $0x2, s7;
	s22 =	smul.u32 $0xA000, s2  }
0xa: {  	s25 =	smul.u32 $0x5000, s7;
	s26 =	sshll.u32 s2, $0x6;
	s13 =	sshrl.u32 s10, $0x1  }
0xb: {  	s8 =	sadd.s32 s9, s8;
	s9 =	sor.u32 s7, s21;
	s10 =	ssub.s32 s10, s13  }
0xc: {  	s23 =	sshrl.u32 s11, $0x2;
	s7 =	sor.u32 $0x1C05, s26;
	s30 =	sadd.s32 s25, s22  }
0xd: {  	s21 =	simm.s32 $0x2;
	s22 =	simm.s32 $0x4;
	s25 =	simm.s32 $0x280  }
0xe: {  	s26 =	simm.s32 $0x1;
	s8 =	sshrl.u32 s8, $0x3;
	s9 =	smul.u32 $0x5000, s9  }
0xf: {  	s15 =	sadd.s32 s23, s1;
	s13 =	sor.u32 $0x600, s30;
	s11 =	sor.u32 $0x400, s30  }
0x10: {  	s10 =	smax.u32 s10, $0x1;
	s23 =	simm.s32 $0x180;
	s14 =	sadd.s32 s8, s6  }
0x11: {  	s13 =	sshrl.u32 s13, $0x3;
	s31 =	sshrl.u32 s11, $0x3;
	s24 =	sshrl.u32 s9, $0x3  }
0x12: {  	s9 =	sadd.s32 $0x8F600, s14;
	s11 =	sadd.s32 s13, s12;
	s13 =	sshrl.u32 s15, $0x3  }
0x13: {  	s14 =	simm.s32 $0x5;
	s15 =	simm.s32 $0x200;
	s6 =	sadd.s32 s12, s24  }
0x14: {  	s12 =	sadd.s32 s31, s12;
	s24 =	simm.s32 $0x300;
	s8 =	sadd.s32 $0x40, s6  }
.LBB2_1:
0x15: {  	[spmem:s13], [sflag:s7] =	dma.local [hbm:s5], $0x2780  }
0x16: {  	_ =	swait.ge [sflag:s14], $0x2780  }
0x17: {  	[sflag:s14] =	ssyncset.done $0x0  }
0x18: {  	[sflag:s14] =	ssyncadd.s32 $0xFFFFD880  }
0x19: {  	[bflag:$0x0] =	sbarrier.arrive $0xFFFF  }
0x1a: {  	[tilespmem:s3], [sflag:$0x5] =	stream.linear.gather [hbm4b:s6+s3], $0x200, $0x38;
	[tilespmem:$0x1C000] =	vst v63  }
0x1b: {  	_ =	swait.ge [sflag:s14], $0x200  }
0x1c: {  	[sflag:s14] =	ssyncset.done $0x0  }
0x1d: {  	[sflag:s14] =	ssyncadd.s32 $0xFFFFFE00  }
0x1e: {  	[tilespmem:s15], [sflag:$0x2] =	stream.linear.gather [hbm4b:s8+s3], $0x200, $0x38;
	[tilespmem:$0x1C000] =	vst v63  }
0x1f: {  	_ = 	snop  }
0x20: {  	[tilespmem:s17], [sflag:$0x3] =	stream.indirect.gather [hbm4b:s4+s16], $0x80, s3, s16, $0xb8;
	[tilespmem:$0x1C000] =	vst v63  }
0x21: {  	_ = 	snop  }
0x22: {  	[tilespmem:s19], [sflag:$0x4] =	stream.indirect.gather [hbm4b:s4+s16], $0x80, s18, s16, $0xb8;
	[tilespmem:$0x1C000] =	vst v63  }
0x23: {  	_ =	swait.ge [sflag:s20], $0x4000  }
0x24: {  	[sflag:s20] =	ssyncset.done $0x0  }
0x25: {  	[sflag:s20] =	ssyncadd.s32 $0xFFFFC000  }
0x26: {  	[spmem:s1] =	stream.indirect.scatter.add.f32 [tilespmem:s17], [sflag:$0x5], $0x80, s16, s16, $0xb8;
	[tilespmem:$0x1C000] =	vst v63  }
0x27: {  	_ =	swait.ge [sflag:s14], $0x4000  }
0x28: {  	[sflag:s14] =	ssyncset.done $0x0  }
0x29: {  	[sflag:s14] =	ssyncadd.s32 $0xFFFFC000  }
0x2a: {  	_ =	swait.ge [sflag:s21], $0x200  }
0x2b: {  	[sflag:s21] =	ssyncset.done $0x0  }
0x2c: {  	[sflag:s21] =	ssyncadd.s32 $0xFFFFFE00  }
0x2d: {  	[tilespmem:s17], [sflag:$0x3] =	stream.indirect.gather [hbm4b:s4+s16], $0x80, s15, s16, $0xb8;
	[tilespmem:$0x1C000] =	vst v63  }
0x2e: {  	_ =	swait.ge [sflag:s22], $0x4000  }
0x2f: {  	[sflag:s22] =	ssyncset.done $0x0  }
0x30: {  	[sflag:s22] =	ssyncadd.s32 $0xFFFFC000  }
0x31: {  	[spmem:s1] =	stream.indirect.scatter.add.f32 [tilespmem:s19], [sflag:$0x5], $0x80, s23, s16, $0xb8;
	[tilespmem:$0x1C000] =	vst v63  }
0x32: {  	_ =	swait.ge [sflag:s14], $0x4000  }
0x33: {  	[sflag:s14] =	ssyncset.done $0x0  }
0x34: {  	s30 =	sadd.s32 $0x0, s12;
	[sflag:s14] =	ssyncadd.s32 $0xFFFFC000  }
0x35: {  	[tilespmem:s3], [sflag:$0x1] =	stream.linear.gather [hbm4b:s30+s3], $0x200, $0x38;
	[tilespmem:$0x1C000] =	vst v63  }
0x36: {  	_ = 	snop  }
0x37: {  	[tilespmem:s19], [sflag:$0x4] =	stream.indirect.gather [hbm4b:s4+s16], $0x80, s24, s16, $0xb8;
	[tilespmem:$0x1C000] =	vst v63  }
0x38: {  	_ =	swait.ge [sflag:s20], $0x4000  }
0x39: {  	[sflag:s20] =	ssyncset.done $0x0  }
0x3a: {  	[sflag:s20] =	ssyncadd.s32 $0xFFFFC000  }
0x3b: {  	[spmem:s1] =	stream.indirect.scatter.add.f32 [tilespmem:s17], [sflag:$0x5], $0x80, s25, s16, $0xb8;
	[tilespmem:$0x1C000] =	vst v63  }
0x3c: {  	_ =	swait.ge [sflag:s14], $0x4000  }
0x3d: {  	[sflag:s14] =	ssyncset.done $0x0  }
0x3e: {  	[sflag:s14] =	ssyncadd.s32 $0xFFFFC000  }
0x3f: {  	_ =	swait.ge [sflag:s26], $0x200  }
0x40: {  	[sflag:s26] =	ssyncset.done $0x0  }
0x41: {  	[sflag:s26] =	ssyncadd.s32 $0xFFFFFE00  }
0x42: {  	[tilespmem:s17], [sflag:$0x3] =	stream.indirect.gather [hbm4b:s4+s16], $0x80, s3, s16, $0xb8;
	[tilespmem:$0x1C000] =	vst v63  }
0x43: {  	_ =	swait.ge [sflag:s22], $0x4000  }
0x44: {  	[sflag:s22] =	ssyncset.done $0x0  }
0x45: {  	[sflag:s22] =	ssyncadd.s32 $0xFFFFC000  }
0x46: {  	[spmem:s1] =	stream.indirect.scatter.add.f32 [tilespmem:s19], [sflag:$0x5], $0x80, s28, s16, $0xb8;
	[tilespmem:$0x1C000] =	vst v63  }
0x47: {  	_ =	swait.ge [sflag:s14], $0x4000  }
0x48: {  	[sflag:s14] =	ssyncset.done $0x0  }
0x49: {  	s31 =	sadd.s32 $0x0, s11;
	s30 =	simm.s32 $0x80;
	[sflag:s14] =	ssyncadd.s32 $0xFFFFC000  }
.LBB2_2:
0x4a: {  	[tilespmem:s15], [sflag:$0x2] =	stream.linear.gather [hbm4b:s31+s3], $0x200, $0x38;
	[tilespmem:$0x1C000] =	vst v63  }
0x4b: {  	p0 =	sne.s32 s30, $0x900;
	s31 =	smov.u32 s30;
	s30 =	sadd.s32 $0x80, s30  }
0x4c: {  	[tilespmem:s19], [sflag:$0x4] =	stream.indirect.gather [hbm4b:s4+s16], $0x80, s18, s16, $0xb8;
	[tilespmem:$0x1C000] =	vst v63  }
0x4d: {  	_ =	swait.ge [sflag:s20], $0x4000  }
0x4e: {  	[sflag:s20] =	ssyncset.done $0x0  }
0x4f: {  	[sflag:s20] =	ssyncadd.s32 $0xFFFFC000  }
0x50: {  	[spmem:s1] =	stream.indirect.scatter.add.f32 [tilespmem:s17], [sflag:$0x5], $0x80, s16, s16, $0xb8;
	[tilespmem:$0x1C000] =	vst v63  }
0x51: {  	_ =	swait.ge [sflag:s14], $0x4000  }
0x52: {  	[sflag:s14] =	ssyncset.done $0x0  }
0x53: {  	[sflag:s14] =	ssyncadd.s32 $0xFFFFC000  }
0x54: {  	_ =	swait.ge [sflag:s21], $0x200  }
0x55: {  	[sflag:s21] =	ssyncset.done $0x0  }
0x56: {  	[sflag:s21] =	ssyncadd.s32 $0xFFFFFE00  }
0x57: {  	[tilespmem:s17], [sflag:$0x3] =	stream.indirect.gather [hbm4b:s4+s16], $0x80, s15, s16, $0xb8;
	[tilespmem:$0x1C000] =	vst v63  }
0x58: {  	_ =	swait.ge [sflag:s22], $0x4000  }
0x59: {  	[sflag:s22] =	ssyncset.done $0x0  }
0x5a: {  	[sflag:s22] =	ssyncadd.s32 $0xFFFFC000  }
0x5b: {  	[spmem:s1] =	stream.indirect.scatter.add.f32 [tilespmem:s19], [sflag:$0x5], $0x80, s23, s16, $0xb8;
	[tilespmem:$0x1C000] =	vst v63  }
0x5c: {  	_ =	swait.ge [sflag:s14], $0x4000  }
0x5d: {  	[sflag:s14] =	ssyncset.done $0x0  }
0x5e: {  	s0 =	sadd.s32 s31, s12;
	[sflag:s14] =	ssyncadd.s32 $0xFFFFC000  }
0x5f: {  	[tilespmem:s3], [sflag:$0x1] =	stream.linear.gather [hbm4b:s0+s3], $0x200, $0x38;
	[tilespmem:$0x1C000] =	vst v63  }
0x60: {  	_ = 	snop  }
0x61: {  	[tilespmem:s19], [sflag:$0x4] =	stream.indirect.gather [hbm4b:s4+s16], $0x80, s24, s16, $0xb8;
	[tilespmem:$0x1C000] =	vst v63  }
0x62: {  	_ =	swait.ge [sflag:s20], $0x4000  }
0x63: {  	[sflag:s20] =	ssyncset.done $0x0  }
0x64: {  	[sflag:s20] =	ssyncadd.s32 $0xFFFFC000  }
0x65: {  	[spmem:s1] =	stream.indirect.scatter.add.f32 [tilespmem:s17], [sflag:$0x5], $0x80, s25, s16, $0xb8;
	[tilespmem:$0x1C000] =	vst v63  }
0x66: {  	_ =	swait.ge [sflag:s14], $0x4000  }
0x67: {  	[sflag:s14] =	ssyncset.done $0x0  }
0x68: {  	[sflag:s14] =	ssyncadd.s32 $0xFFFFC000  }
0x69: {  	_ =	swait.ge [sflag:s26], $0x200  }
0x6a: {  	[sflag:s26] =	ssyncset.done $0x0  }
0x6b: {  	[sflag:s26] =	ssyncadd.s32 $0xFFFFFE00  }
0x6c: {  	[tilespmem:s17], [sflag:$0x3] =	stream.indirect.gather [hbm4b:s4+s16], $0x80, s3, s16, $0xb8;
	[tilespmem:$0x1C000] =	vst v63  }
0x6d: {  	_ =	swait.ge [sflag:s22], $0x4000  }
0x6e: {  	[sflag:s22] =	ssyncset.done $0x0  }
.Ltmp0:
0x6f: {  	[sflag:s22] =	ssyncadd.s32 $0xFFFFC000;
	(pc) =	sbr.rel @p0 .LBB2_2-.Ltmp0, $4  }
0x70: {  	[spmem:s1] =	stream.indirect.scatter.add.f32 [tilespmem:s19], [sflag:$0x5], $0x80, s28, s16, $0xb8;
	[tilespmem:$0x1C000] =	vst v63  }
0x71: {  	_ =	swait.ge [sflag:s14], $0x4000  }
0x72: {  	[sflag:s14] =	ssyncset.done $0x0  }
0x73: {  	s31 =	sadd.s32 s31, s11;
	[sflag:s14] =	ssyncadd.s32 $0xFFFFC000  }
0x74: {  	[tilespmem:s15], [sflag:$0x2] =	stream.linear.gather [hbm4b:s31+s3], $0x200, $0x38;
	[tilespmem:$0x1C000] =	vst v63  }
0x75: {  	_ = 	snop  }
0x76: {  	[tilespmem:s19], [sflag:$0x4] =	stream.indirect.gather [hbm4b:s4+s16], $0x80, s18, s16, $0xb8;
	[tilespmem:$0x1C000] =	vst v63  }
0x77: {  	_ =	swait.ge [sflag:s20], $0x4000  }
0x78: {  	[sflag:s20] =	ssyncset.done $0x0  }
0x79: {  	[sflag:s20] =	ssyncadd.s32 $0xFFFFC000  }
0x7a: {  	[spmem:s1] =	stream.indirect.scatter.add.f32 [tilespmem:s17], [sflag:$0x5], $0x80, s16, s16, $0xb8;
	[tilespmem:$0x1C000] =	vst v63  }
0x7b: {  	_ =	swait.ge [sflag:s14], $0x4000  }
0x7c: {  	[sflag:s14] =	ssyncset.done $0x0  }
0x7d: {  	[sflag:s14] =	ssyncadd.s32 $0xFFFFC000  }
0x7e: {  	_ =	swait.ge [sflag:s21], $0x200  }
0x7f: {  	[sflag:s21] =	ssyncset.done $0x0  }
0x80: {  	[sflag:s21] =	ssyncadd.s32 $0xFFFFFE00  }
0x81: {  	[tilespmem:s17], [sflag:$0x3] =	stream.indirect.gather [hbm4b:s4+s16], $0x80, s15, s16, $0xb8;
	[tilespmem:$0x1C000] =	vst v63  }
0x82: {  	_ =	swait.ge [sflag:s22], $0x4000  }
0x83: {  	[sflag:s22] =	ssyncset.done $0x0  }
0x84: {  	[sflag:s22] =	ssyncadd.s32 $0xFFFFC000  }
0x85: {  	[spmem:s1] =	stream.indirect.scatter.add.f32 [tilespmem:s19], [sflag:$0x5], $0x80, s23, s16, $0xb8;
	[tilespmem:$0x1C000] =	vst v63  }
0x86: {  	_ =	swait.ge [sflag:s14], $0x4000  }
0x87: {  	[sflag:s14] =	ssyncset.done $0x0  }
0x88: {  	[sflag:s14] =	ssyncadd.s32 $0xFFFFC000  }
0x89: {  	[tilespmem:s19], [sflag:$0x4] =	stream.indirect.gather [hbm4b:s4+s16], $0x80, s24, s16, $0xb8;
	[tilespmem:$0x1C000] =	vst v63  }
0x8a: {  	_ =	swait.ge [sflag:s20], $0x4000  }
0x8b: {  	[sflag:s20] =	ssyncset.done $0x0  }
0x8c: {  	[sflag:s20] =	ssyncadd.s32 $0xFFFFC000  }
0x8d: {  	[spmem:s1] =	stream.indirect.scatter.add.f32 [tilespmem:s17], [sflag:$0x5], $0x80, s25, s16, $0xb8;
	[tilespmem:$0x1C000] =	vst v63  }
0x8e: {  	_ =	swait.ge [sflag:s14], $0x4000  }
0x8f: {  	[sflag:s14] =	ssyncset.done $0x0  }
0x90: {  	[sflag:s14] =	ssyncadd.s32 $0xFFFFC000  }
0x91: {  	_ =	swait.ge [sflag:s22], $0x4000  }
0x92: {  	[sflag:s22] =	ssyncset.done $0x0  }
0x93: {  	[sflag:s22] =	ssyncadd.s32 $0xFFFFC000  }
0x94: {  	[spmem:s1] =	stream.indirect.scatter.add.f32 [tilespmem:s19], [sflag:$0x5], $0x80, s28, s16, $0xb8;
	[tilespmem:$0x1C000] =	vst v63  }
0x95: {  	_ =	swait.ge [sflag:s14], $0x4000  }
0x96: {  	s29 =	sadd.s32 $0x1, s29;
	[sflag:s14] =	ssyncset.done $0x0  }
0x97: {  	p0 =	sne.s32 s29, s10;
	[sflag:s14] =	ssyncadd.s32 $0xFFFFC000  }
.Ltmp1:
0x98: {  	[bflag:$0x0] =	sbarrier.arrive $0xFFFF;
	(pc) =	sbr.rel @p0 .LBB2_1-.Ltmp1, $4  }
0x99: {  	[hbm:s9], [sflag:s7] =	dma.local [spmem:s13], $0x2780  }
0x9a: {  	_ =	swait.ge [sflag:s14], $0x2780  }
0x9b: {  	[sflag:s14] =	ssyncset.done $0x0  }
0x9c: {  	[sflag:s14] =	ssyncadd.s32 $0xFFFFD880  }
0x9d: {  	_ =	sfence.sel $0x180000  }
0x9e: {  	[bflag:$0x0] =	sbarrier.arrive $0xFFFF  }
0x9f: {  	_ =	strace $0x9000004D  }
0xa0: {  	[bflag:$0x2] =	sbarrier.arrive $0xFFFF  }
0xa1: {  	p0 =	sne.s32 s2, $0x0;
	s0 =	rddreg [dreg:$0x2]  }
0xa2: {  	s0 =	sadd.s32 @!p0 $0x100000, s0  }
0xa3: {  	[sflag:s0] =	ssyncadd.tile.s32 @!p0 $0x1;
	_ =	shalt  }
.Lfunc_end2:
_tile_overlayer_lowered:
.L_overlay_start_2:
0xa4: {  	(tag) =	ssettag $0x2  }
0xa5: {  	s0 =	rddreg [dreg:$0x0];
	s2 =	stileid.u32  }
0xa6: {  	s1 =	rddreg [dreg:$0x1];
	p0 =	sne.s32 s2, $0x0  }
0xa7: {  	s3 =	rddreg [dreg:$0x2];
	[bflag:$0x3] =	sbarrier.arrive $0xFFFF;
	s2 =	simm.s32 @!p0 $0x1C05  }
0xa8: {  	[timem:s3], [sflag:s2] =	dma.local @!p0 [hbm:s0], s1  }
0xa9: {  	s0 =	simm.s32 @!p0 $0x5  }
0xaa: {  	_ =	swait.ge @!p0 [sflag:s0], s1  }
0xab: {  	s1 =	ssub.s32 @!p0 $0x0, s1;
	[sflag:s0] =	ssyncset.done @!p0 $0x0  }
0xac: {  	[sflag:s0] =	ssyncadd.s32 @!p0 s1  }
0xad: {  	[bflag:$0x3] =	sbarrier.arrive $0xFFFF  }
0xae: {  	_ =	shalt  }

// kernel: kernel.8.cloned.1.call-start
scs
__scs_entry_jumppad:
0x0: {  	(pc) =	sbr.rel $0x88, $3  }
0x1: {  	(tag) =	ssettag $0x0;
	lr =	simm.s32 $0x1  }
0x2: {  	[smem:$0x3F98] =	sst lr;
	_ =	strace $0xD0000000  }
0x3: {  	_ = 	snop  }
0x4: {  	_ = 	snop  }
0x5: {  	_ = 	snop  }
0x6: {  	_ = 	snop  }
0x7: {  	_ = 	snop  }
__scs_overlays_trampoline_lowered:
0x8: {  	[smem:$0x3FA7] =	sst s0  }
0x9: {  	[smem:$0x3FA8] =	sst s1  }
0xa: {  	[smem:$0x3FA9] =	sst s2  }
0xb: {  	[smem:$0x3FAA] =	sst s3  }
0xc: {  	[smem:$0x3FAB] =	sst s4  }
0xd: {  	[smem:$0x3FAC] =	sst s5  }
0xe: {  	[smem:$0x3FAD] =	sst s6  }
0xf: {  	[smem:$0x3FAE] =	sst s7  }
0x10: {  	[smem:$0x3FAF] =	sst s8  }
0x11: {  	[smem:$0x3FB0] =	sst s9;
	s0 =	simm.s32 @!p0 $0x0  }
0x12: {  	s1 =	sld [smem:$0x3F96];
	s0 =	simm.s32 @p0 $0x1  }
0x13: {  	[smem:$0x3FB1] =	sst s0;
	s0 =	simm.s32 @!p1 $0x0  }
0x14: {  	s2 =	sld [smem:$0x3F95];
	s0 =	simm.s32 @p1 $0x1  }
0x15: {  	[smem:$0x3FB2] =	sst s0;
	s0 =	simm.s32 @!p2 $0x0  }
0x16: {  	s3 =	sld [smem:$0x3FDB];
	s0 =	simm.s32 @p2 $0x1  }
0x17: {  	s4 =	simm.s32 $0x1BF5;
	[smem:$0x3FB4] =	sst s0  }
0x18: {  	s0 =	sld [smem:$0x3F97];
	_ =	swait.ge [sflag:s4], $0x0  }
0x19: {  	s7 =	sld [smem:$0x3F98]  }
0x1a: {  	s8 =	sadd.s32 $0xFFFFE003, lr  }
0x1b: {  	s9 =	sadd.s32 $0xFFFFFEF7, lr;
	s5 =	simm.s32 $0xFFFFFFFF;
	p2 =	slt.u32 s8, $0xFFFFF086  }
0x1c: {  	p1 =	slt.u32 s9, $0xF7A;
	s5 =	simm.s32 @!p2 $0x0  }
0x1d: {  	s5 =	simm.s32 @p1 $0x1;
	p0 =	seq.s32 s7, s2  }
0x1e: {  	s7 =	smul.u32 @!p0 $0xF7A, s2;
	p2 =	seq.s32 @!p0 s5, $0x0  }
0x1f: {  	s9 =	smul.u32 $0xF7A, s1;
	s8 =	simm.s32 @!p0 $0x1BF5;
	p2 =	por !p2, p0  }
0x20: {  	[sflag:s8] =	ssyncset.s32 @!p0 $0xFFFFF086;
	s6 =	sadd.s32 @!p0 s3, s7;
	s7 =	simm.s32 @!p0 $0x108  }
0x21: {  	s3 =	sadd.s32 s3, s9;
	s6 =	sadd.s32 @!p0 $0x88, s6;
	s7 =	simm.s32 @p2 $0x1082  }
0x22: {  	[simem:s7], [sflag:s8] =	dma.local @!p0 [hbm:s6], $0xF7A  }
0x23: {  	s9 =	sor.u32 $0xD0000000, s2;
	s6 =	simm.s32 $0x108;
	_ =	swait.ge @!p0 [sflag:s8], $0x0  }
0x24: {  	s3 =	sadd.s32 $0x88, s3;
	s6 =	simm.s32 @!p1 $0x1082;
	[sflag:s4] =	ssyncset.s32 $0xFFFFF086  }
0x25: {  	[simem:s6], [sflag:s4] =	dma.local [hbm:s3], $0xF7A  }
0x26: {  	[smem:$0x3F98] =	sst s1;
	(tag) =	ssettag s2;
	_ =	strace s9  }
0x27: {  	s1 =	sld [smem:$0x3FA8]  }
0x28: {  	s2 =	sld [smem:$0x3FA9]  }
0x29: {  	s4 =	sld [smem:$0x3FAB]  }
0x2a: {  	p0 =	seq.s32 s5, $0x0;
	s5 =	sld [smem:$0x3FAC]  }
0x2b: {  	s6 =	sld [smem:$0x3FAD]  }
0x2c: {  	s7 =	sld [smem:$0x3FAE]  }
0x2d: {  	s3 =	simm.s32 $0x108;
	s8 =	sld [smem:$0x3FAF]  }
0x2e: {  	s3 =	simm.s32 @!p0 $0x1082;
	s9 =	sld [smem:$0x3FB0]  }
0x2f: {  	lr =	sadd.s32 s0, s3;
	s0 =	sld [smem:$0x3FA7]  }
0x30: {  	s3 =	sld [smem:$0x3FAA]  }
0x31: {  	[smem:$0x3FB3] =	sst s10  }
0x32: {  	s10 =	sld [smem:$0x3FB1];
	_ =	sdelay $0x3  }
0x33: {  	p0 =	seq.s32 s10, $0x1;
	s10 =	sld [smem:$0x3FB3];
	_ =	sdelay $0x3  }
0x34: {  	[smem:$0x3FB3] =	sst s10  }
0x35: {  	s10 =	sld [smem:$0x3FB2];
	_ =	sdelay $0x3  }
0x36: {  	p1 =	seq.s32 s10, $0x1;
	s10 =	sld [smem:$0x3FB3];
	_ =	sdelay $0x3  }
0x37: {  	[smem:$0x3FB3] =	sst s10  }
0x38: {  	s10 =	sld [smem:$0x3FB4]  }
0x39: {  	_ = 	snop;
	(pc) =	sbr.ind lr, $3  }
0x3a: {  	_ = 	snop  }
0x3b: {  	_ = 	snop  }
0x3c: {  	p2 =	seq.s32 s10, $0x1;
	s10 =	sld [smem:$0x3FB3]  }
0x3d: {  	_ =	shalt  }
0x3e: {  	_ =	shalt  }
0x3f: {  	_ =	shalt  }
0x40: {  	_ =	shalt  }
0x41: {  	_ =	shalt  }
0x42: {  	_ =	shalt  }
0x43: {  	_ =	shalt  }
0x44: {  	_ =	shalt  }
0x45: {  	_ =	shalt  }
0x46: {  	_ =	shalt  }
0x47: {  	_ =	shalt  }
0x48: {  	_ =	shalt  }
0x49: {  	_ =	shalt  }
0x4a: {  	_ =	shalt  }
0x4b: {  	_ =	shalt  }
0x4c: {  	_ =	shalt  }
0x4d: {  	_ =	shalt  }
0x4e: {  	_ =	shalt  }
0x4f: {  	_ =	shalt  }
0x50: {  	_ =	shalt  }
0x51: {  	_ =	shalt  }
0x52: {  	_ =	shalt  }
0x53: {  	_ =	shalt  }
0x54: {  	_ =	shalt  }
0x55: {  	_ =	shalt  }
0x56: {  	_ =	shalt  }
0x57: {  	_ =	shalt  }
0x58: {  	_ =	shalt  }
0x59: {  	_ =	shalt  }
0x5a: {  	_ =	shalt  }
0x5b: {  	_ =	shalt  }
0x5c: {  	_ =	shalt  }
0x5d: {  	_ =	shalt  }
0x5e: {  	_ =	shalt  }
0x5f: {  	_ =	shalt  }
0x60: {  	_ =	shalt  }
0x61: {  	_ =	shalt  }
0x62: {  	_ =	shalt  }
0x63: {  	_ =	shalt  }
0x64: {  	_ =	shalt  }
0x65: {  	_ =	shalt  }
0x66: {  	_ =	shalt  }
0x67: {  	_ =	shalt  }
0x68: {  	_ =	shalt  }
0x69: {  	_ =	shalt  }
0x6a: {  	_ =	shalt  }
0x6b: {  	_ =	shalt  }
0x6c: {  	_ =	shalt  }
0x6d: {  	_ =	shalt  }
0x6e: {  	_ =	shalt  }
0x6f: {  	_ =	shalt  }
0x70: {  	_ =	shalt  }
0x71: {  	_ =	shalt  }
0x72: {  	_ =	shalt  }
0x73: {  	_ =	shalt  }
0x74: {  	_ =	shalt  }
0x75: {  	_ =	shalt  }
0x76: {  	_ =	shalt  }
0x77: {  	_ =	shalt  }
0x78: {  	_ =	shalt  }
0x79: {  	_ =	shalt  }
0x7a: {  	_ =	shalt  }
0x7b: {  	_ =	shalt  }
0x7c: {  	_ =	shalt  }
0x7d: {  	_ =	shalt  }
0x7e: {  	_ =	shalt  }
0x7f: {  	_ =	shalt  }
0x80: {  	_ =	shalt  }
0x81: {  	_ =	shalt  }
0x82: {  	_ =	shalt  }
0x83: {  	_ =	shalt  }
0x84: {  	_ =	shalt  }
0x85: {  	_ =	shalt  }
0x86: {  	_ =	shalt  }
0x87: {  	_ =	shalt  }
.Lfunc_end0:
.L_simem_size_0:
called_computation_lowered:
.L_overlay_start_0:
0x88: {  	s2 =	sld [smem:$0x3FD9]  }
0x89: {  	s3 =	sld [smem:$0x3FFE];
	_ =	sdelay $0x1  }
0x8a: {  	s1 =	srdreg.scid  }
0x8b: {  	s0 =	sand.u32 $0x1, s1  }
0x8c: {  	s14 =	sshll.u32 s0, $0xA;
	s2 =	sadd.s32 s3, s2  }
0x8d: {  	s2 =	sadd.s32 s2, s14  }
0x8e: {  	[smem:$0x3FBF] =	sst s2  }
0x8f: {  	_ = 	snop  }
0x90: {  	s2 =	sld [smem:$0x3FD0];
	_ =	sdelay $0x2  }
0x91: {  	s15 =	simm.s32 $0xA;
	s4 =	simm.s32 $0x10  }
0x92: {  	[smem:s4], [sflag:s15] =	dma.local [hbm:s2], $0x1  }
0x93: {  	_ =	swait.eq [sflag:s15], $0x1  }
0x94: {  	[sflag:s15] =	ssyncset.done $0x0  }
0x95: {  	[sflag:s15] =	ssyncadd.s32 $0xFFFFFFFF  }
0x96: {  	s16 =	sld [smem:$0x11];
	(tm) =	ssettm $0x1  }
0x97: {  	s17 =	sld [smem:$0x3FFB];
	_ =	sdelay $0x3  }
0x98: {  	_ =	strace s17  }
0x99: {  	s3 =	sld [smem:$0x3FFC];
	_ =	sdelay $0x3  }
0x9a: {  	_ =	strace s3  }
0x9b: {  	s3 =	sld [smem:$0x3FFD];
	_ =	sdelay $0x3  }
0x9c: {  	_ =	strace s3  }
0x9d: {  	_ =	strace $0x8FFFFFFF  }
0x9e: {  	s18 =	sld [smem:$0x3FDB];
	_ =	sdelay $0x1  }
0x9f: {  	s19 =	simm.s32 $_scs_section_size  }
0xa0: {  	s5 =	simm.s32 $_size__tile_overlayer_lowered;
	s6 =	simm.s32 $_tile_overlayer_lowered  }
0xa1: {  	s22 =	simm.s32 $0x1BFF;
	s21 =	sshll.u32 s6, $0x1;
	s3 =	sadd.s32 s19, s18  }
0xa2: {  	s7 =	simm.s32 $0x0;
	s20 =	sshll.u32 s5, $0x1;
	s5 =	sadd.s32 s21, s3  }
0xa3: {  	[timem:s7], [sflag:s22] =	dma.local [hbm:s5], s20  }
0xa4: {  	_ =	swait.ge [sflag:s22], s20  }
0xa5: {  	s4 =	ssub.s32 $0x0, s20;
	[sflag:s22] =	ssyncset.done $0x0  }
0xa6: {  	[sflag:s22] =	ssyncadd.s32 s4;
	_ =	sdelay $0x1  }
0xa7: {  	s23 =	simm.s32 $0x1B8B  }
0xa8: {  	_ =	swait.ge [sflag:s23], $0x1  }
0xa9: {  	[sflag:s23] =	ssyncset.done $0x0  }
0xaa: {  	s25 =	simm.s32 $0x1B8E;
	s24 =	sld [smem:$0x3FFE];
	[sflag:s23] =	ssyncadd.s32 $0xFFFFFFFF  }
0xab: {  	s26 =	simm.s32 $execute0_lowered;
	[smem:$0x3FD2] =	sst s25  }
0xac: {  	s5 =	sshll.u32 s26, $0x1;
	_ =	strace $0x80000046;
	[dreg:$0x1] =	wrdreg $0xFFFFFFFF  }
0xad: {  	s28 =	simm.s32 $_size_execute0_lowered;
	s3 =	sadd.s32 s3, s5;
	[dreg:$0x0] =	wrdreg $0x0  }
0xae: {  	s5 =	sshll.u32 s28, $0x1;
	[dreg:$0x2] =	wrdreg s3  }
0xaf: {  	[dreg:$0x3] =	wrdreg s5  }
0xb0: {  	[dreg:$0x4] =	wrdreg $0xC0  }
0xb1: {  	_ =	task [dreg:s7], $0x5FFFF  }
0xb2: {  	[dreg:$0x1] =	wrdreg $0xFFFFFFFF  }
0xb3: {  	[dreg:$0x0] =	wrdreg $0x60  }
0xb4: {  	[dreg:$0x2] =	wrdreg s24  }
0xb5: {  	[dreg:$0x3] =	wrdreg s16  }
0xb6: {  	[dreg:$0x4] =	wrdreg $0x42000  }
0xb7: {  	[dreg:$0x5] =	wrdreg $0x9  }
0xb8: {  	_ =	task.clear_ibuf [dreg:s7], $0x6FFFF;
	_ =	strace $0x90000046  }
0xb9: {  	s29 =	simm.s32 $0x9;
	_ =	strace $0x80000048  }
0xba: {  	_ =	swait.ge [sflag:s29], $0x1  }
0xbb: {  	[sflag:s29] =	ssyncadd.s32 $0xFFFFFFFF  }
0xbc: {  	_ =	strace $0x90000048  }
0xbd: {  	_ =	sfence  }
0xbe: {  	s30 =	sld [smem:$0x0];
	_ =	sdelay $0x2  }
0xbf: {  	s31 =	sshll.u32 s1, $0xD;
	s1 =	sshrl.u32 s1, $0x2  }
0xc0: {  	s3 =	sand.u32 $0x4000, s31;
	s1 =	sadd.s32 s1, s30  }
0xc1: {  	s0 =	sor.u32 s3, s0;
	s1 =	sshll.u32 s1, $0x11  }
0xc2: {  	s0 =	sor.u32 s1, s0  }
0xc3: {  	s0 =	sadd.s32 $0x8F2B, s0  }
0xc4: {  	[sflag:s0] =	ssyncadd.remote.s32 $0x1  }
0xc5: {  	_ =	sfence.sel $0xFFFF  }
0xc6: {  	[dreg:$0x0] =	wrdreg $0xFFFFFFFF;
	(pc) =	sbr.abs _section_cstart, $3  }
0xc7: {  	[dreg:$0x1] =	wrdreg $0xFFFFFFFF  }
0xc8: {  	_ =	task.clear_ibuf [dreg:s7], $0x2FFFF;
	_ =	strace $0x9FFFFFFF  }
0xc9: {  	(tm) =	ssettm $0x7FFFFFFF  }
tec
execute0_lowered:
.L_overlay_start_1:
0x0: {  	(tag) =	ssettag $0x1  }
0x1: {  	s6 =	rddreg [dreg:$0x0]  }
0x2: {  	s1 =	rddreg [dreg:$0x1]  }
0x3: {  	s2 =	rddreg [dreg:$0x2]  }
0x4: {  	s0 =	rddreg [dreg:$0x3];
	s4 =	simm.s32 $0x0;
	s3 =	srdreg.scid  }
0x5: {  	s16 =	simm.s32 $0x100;
	s17 =	simm.s32 $0x80;
	s7 =	sand.u32 $0x1, s3  }
0x6: {  	s18 =	simm.s32 $0x2;
	s3 =	stileid.u32;
	s8 =	smul.u32 $0x13C000, s7  }
0x7: {  	s19 =	simm.s32 $0x180;
	s20 =	simm.s32 $0x1;
	s9 =	smul.u32 $0x13C00, s3  }
0x8: {  	[smem:$0x7FF] =	sst s4;
	s12 =	sadd.s32 $0x2C00, s6;
	s22 =	smul.u32 $0x4F000, s3  }
0x9: {  	s5 =	sadd.s32 $0x16C00, s6;
	_ =	strace $0x80000047;
	s24 =	smul.u32 $0xA000, s3  }
0xa: {  	s10 =	sshll.u32 s3, $0x1;
	s11 =	ssub.s32 $0x2, s7;
	s26 =	smul.u32 $0x5000, s7  }
0xb: {  	s28 =	sshll.u32 s3, $0x6;
	s21 =	sor.u32 s7, s10;
	s23 =	sshrl.u32 s11, $0x1  }
0xc: {  	s8 =	sadd.s32 s9, s8;
	s9 =	smul.u32 $0x5000, s21;
	s11 =	ssub.s32 s11, s23  }
0xd: {  	s25 =	sshrl.u32 s22, $0x2;
	s30 =	sadd.s32 s26, s24;
	s21 =	simm.s32 $0x0  }
0xe: {  	s8 =	sshrl.u32 s8, $0x3;
	s14 =	sadd.s32 s25, s2;
	s10 =	sor.u32 $0x300, s30  }
0xf: {  	s15 =	sor.u32 $0x200, s30;
	s13 =	sadd.s32 s8, s6;
	s29 =	sshrl.u32 s9, $0x3  }
0x10: {  	s6 =	sor.u32 $0x1C03, s28;
	s31 =	sshrl.u32 s10, $0x3;
	s15 =	sshrl.u32 s15, $0x3  }
0x11: {  	s10 =	smax.u32 s11, $0x1;
	s7 =	sadd.s32 s12, s29;
	s9 =	sadd.s32 $0x19400, s13  }
0x12: {  	s11 =	sadd.s32 s31, s12;
	s12 =	sadd.s32 s15, s12;
	s13 =	sshrl.u32 s14, $0x3  }
0x13: {  	s14 =	simm.s32 $0x3;
	s15 =	simm.s32 $0x200;
	s8 =	sadd.s32 $0x20, s7  }
.LBB2_1:
0x14: {  	[spmem:s13], [sflag:s6] =	dma.local [hbm:s5], $0x2780  }
0x15: {  	_ =	swait.ge [sflag:s14], $0x2780  }
0x16: {  	[sflag:s14] =	ssyncset.done $0x0  }
0x17: {  	[sflag:s14] =	ssyncadd.s32 $0xFFFFD880  }
0x18: {  	[tilespmem:s15], [sflag:$0x3] =	stream.linear.gather [hbm4b:s1+s4], $0x4000, $0x38;
	[tilespmem:$0x17E00] =	vst v63  }
0x19: {  	_ =	swait.ge [sflag:s14], $0x4000  }
0x1a: {  	[sflag:s14] =	ssyncset.done $0x0  }
0x1b: {  	[sflag:s14] =	ssyncadd.s32 $0xFFFFC000  }
0x1c: {  	[bflag:$0x0] =	sbarrier.arrive $0xFFFF  }
0x1d: {  	[tilespmem:s4], [sflag:$0x3] =	stream.linear.gather [hbm4b:s7+s4], $0x100, $0x38;
	[tilespmem:$0x17E00] =	vst v63  }
0x1e: {  	_ =	swait.ge [sflag:s14], $0x100  }
0x1f: {  	[sflag:s14] =	ssyncset.done $0x0  }
0x20: {  	[sflag:s14] =	ssyncadd.s32 $0xFFFFFF00  }
0x21: {  	[tilespmem:s16], [sflag:$0x2] =	stream.linear.gather [hbm4b:s8+s4], $0x100, $0x38;
	[tilespmem:$0x17E00] =	vst v63  }
0x22: {  	_ = 	snop  }
0x23: {  	[spmem:s2] =	stream.indirect.scatter.add.f32 [tilespmem:s15], [sflag:$0x3], $0x80, s17, s17, $0xb8;
	[tilespmem:$0x17E00] =	vst v63  }
0x24: {  	_ =	swait.ge [sflag:s14], $0x4000  }
0x25: {  	[sflag:s14] =	ssyncset.done $0x0  }
0x26: {  	[sflag:s14] =	ssyncadd.s32 $0xFFFFC000  }
0x27: {  	_ =	swait.ge [sflag:s18], $0x100  }
0x28: {  	[sflag:s18] =	ssyncset.done $0x0  }
0x29: {  	s22 =	sadd.s32 $0x0, s12;
	[sflag:s18] =	ssyncadd.s32 $0xFFFFFF00  }
0x2a: {  	[tilespmem:s4], [sflag:$0x1] =	stream.linear.gather [hbm4b:s22+s4], $0x100, $0x38;
	[tilespmem:$0x17E00] =	vst v63  }
0x2b: {  	_ = 	snop  }
0x2c: {  	[spmem:s2] =	stream.indirect.scatter.add.f32 [tilespmem:s15], [sflag:$0x3], $0x80, s19, s17, $0xb8;
	[tilespmem:$0x17E00] =	vst v63  }
0x2d: {  	_ =	swait.ge [sflag:s14], $0x4000  }
0x2e: {  	[sflag:s14] =	ssyncset.done $0x0  }
0x2f: {  	[sflag:s14] =	ssyncadd.s32 $0xFFFFC000  }
0x30: {  	_ =	swait.ge [sflag:s20], $0x100  }
0x31: {  	[sflag:s20] =	ssyncset.done $0x0  }
0x32: {  	s23 =	sadd.s32 $0x0, s11;
	s22 =	simm.s32 $0x40;
	[sflag:s20] =	ssyncadd.s32 $0xFFFFFF00  }
.LBB2_2:
0x33: {  	[tilespmem:s16], [sflag:$0x2] =	stream.linear.gather [hbm4b:s23+s4], $0x100, $0x38;
	[tilespmem:$0x17E00] =	vst v63  }
0x34: {  	p0 =	sne.s32 s22, $0x980;
	s23 =	smov.u32 s22;
	s22 =	sadd.s32 $0x40, s22  }
0x35: {  	[spmem:s2] =	stream.indirect.scatter.add.f32 [tilespmem:s15], [sflag:$0x3], $0x80, s17, s17, $0xb8;
	[tilespmem:$0x17E00] =	vst v63  }
0x36: {  	_ =	swait.ge [sflag:s14], $0x4000  }
0x37: {  	[sflag:s14] =	ssyncset.done $0x0  }
0x38: {  	[sflag:s14] =	ssyncadd.s32 $0xFFFFC000  }
0x39: {  	_ =	swait.ge [sflag:s18], $0x100  }
0x3a: {  	[sflag:s18] =	ssyncset.done $0x0  }
0x3b: {  	s24 =	sadd.s32 s23, s12;
	[sflag:s18] =	ssyncadd.s32 $0xFFFFFF00  }
0x3c: {  	[tilespmem:s4], [sflag:$0x1] =	stream.linear.gather [hbm4b:s24+s4], $0x100, $0x38;
	[tilespmem:$0x17E00] =	vst v63  }
0x3d: {  	_ = 	snop  }
0x3e: {  	[spmem:s2] =	stream.indirect.scatter.add.f32 [tilespmem:s15], [sflag:$0x3], $0x80, s19, s17, $0xb8;
	[tilespmem:$0x17E00] =	vst v63  }
0x3f: {  	_ =	swait.ge [sflag:s14], $0x4000  }
.Ltmp0:
0x40: {  	[sflag:s14] =	ssyncset.done $0x0;
	(pc) =	sbr.rel @p0 .LBB2_2-.Ltmp0, $4  }
0x41: {  	[sflag:s14] =	ssyncadd.s32 $0xFFFFC000  }
0x42: {  	_ =	swait.ge [sflag:s20], $0x100  }
0x43: {  	[sflag:s20] =	ssyncset.done $0x0  }
0x44: {  	s23 =	sadd.s32 s23, s11;
	[sflag:s20] =	ssyncadd.s32 $0xFFFFFF00  }
0x45: {  	[tilespmem:s16], [sflag:$0x2] =	stream.linear.gather [hbm4b:s23+s4], $0x100, $0x38;
	[tilespmem:$0x17E00] =	vst v63  }
0x46: {  	_ = 	snop  }
0x47: {  	[spmem:s2] =	stream.indirect.scatter.add.f32 [tilespmem:s15], [sflag:$0x3], $0x80, s17, s17, $0xb8;
	[tilespmem:$0x17E00] =	vst v63  }
0x48: {  	_ =	swait.ge [sflag:s14], $0x4000  }
0x49: {  	[sflag:s14] =	ssyncset.done $0x0  }
0x4a: {  	[sflag:s14] =	ssyncadd.s32 $0xFFFFC000  }
0x4b: {  	_ =	swait.ge [sflag:s18], $0x100  }
0x4c: {  	[sflag:s18] =	ssyncset.done $0x0  }
0x4d: {  	[sflag:s18] =	ssyncadd.s32 $0xFFFFFF00  }
0x4e: {  	[spmem:s2] =	stream.indirect.scatter.add.f32 [tilespmem:s15], [sflag:$0x3], $0x80, s19, s17, $0xb8;
	[tilespmem:$0x17E00] =	vst v63  }
0x4f: {  	_ =	swait.ge [sflag:s14], $0x4000  }
0x50: {  	s21 =	sadd.s32 $0x1, s21;
	[sflag:s14] =	ssyncset.done $0x0  }
0x51: {  	p0 =	sne.s32 s21, s10;
	[sflag:s14] =	ssyncadd.s32 $0xFFFFC000  }
.Ltmp1:
0x52: {  	[bflag:$0x0] =	sbarrier.arrive $0xFFFF;
	(pc) =	sbr.rel @p0 .LBB2_1-.Ltmp1, $4  }
0x53: {  	[hbm:s9], [sflag:s6] =	dma.local [spmem:s13], $0x2780  }
0x54: {  	_ =	swait.ge [sflag:s14], $0x2780  }
0x55: {  	[sflag:s14] =	ssyncset.done $0x0  }
0x56: {  	[sflag:s14] =	ssyncadd.s32 $0xFFFFD880  }
0x57: {  	_ =	sfence.sel $0x180000  }
0x58: {  	[bflag:$0x0] =	sbarrier.arrive $0xFFFF  }
0x59: {  	p0 =	sne.s32 s3, $0x0;
	_ =	strace $0x90000047  }
0x5a: {  	s0 =	sadd.s32 @!p0 $0x100000, s0;
	[bflag:$0x2] =	sbarrier.arrive $0xFFFF  }
0x5b: {  	[sflag:s0] =	ssyncadd.tile.s32 @!p0 $0x1;
	_ =	shalt  }
.Lfunc_end2:
_tile_overlayer_lowered:
.L_overlay_start_2:
0x5c: {  	(tag) =	ssettag $0x2  }
0x5d: {  	s0 =	rddreg [dreg:$0x0];
	s2 =	stileid.u32  }
0x5e: {  	s1 =	rddreg [dreg:$0x1];
	p0 =	sne.s32 s2, $0x0  }
0x5f: {  	s3 =	rddreg [dreg:$0x2];
	[bflag:$0x3] =	sbarrier.arrive $0xFFFF;
	s2 =	simm.s32 @!p0 $0x1C03  }
0x60: {  	[timem:s3], [sflag:s2] =	dma.local @!p0 [hbm:s0], s1  }
0x61: {  	s0 =	simm.s32 @!p0 $0x3  }
0x62: {  	_ =	swait.ge @!p0 [sflag:s0], s1  }
0x63: {  	s1 =	ssub.s32 @!p0 $0x0, s1;
	[sflag:s0] =	ssyncset.done @!p0 $0x0  }
0x64: {  	[sflag:s0] =	ssyncadd.s32 @!p0 s1  }
0x65: {  	[bflag:$0x3] =	sbarrier.arrive $0xFFFF  }
0x66: {  	_ =	shalt  }

</sc_bundles>
